<compile_context>
chip_gen: v7x
topology: tpu7x:2x2x1
jax: 0.10.2.dev20260603
libtpu: 0.0.44.dev20260713+nightly
codegen_flags: <defaults>
</compile_context>

<pallas_src>
import functools

import jax
import jax.numpy as jnp
from jax import lax
from jax.experimental import pallas as pl
from jax.experimental.pallas import tpu as pltpu
from jax.experimental.pallas import tpu_sc as plsc

_DROP_RATIO = 0.75


def _sc_gather(xf, idx, BK, D, K, N):
    info = plsc.get_sparse_core_info()
    NC, NS = info.num_cores, info.num_subcores
    NW = NC * NS
    b_per_w = BK // NW
    CH = 32
    NBUF = 4
    n_ch = b_per_w // CH

    idx2d = idx.reshape(BK // CH, CH)
    mesh = plsc.VectorSubcoreMesh(core_axis_name="c", subcore_axis_name="s")

    @functools.partial(
        pl.kernel,
        mesh=mesh,
        out_type=jax.ShapeDtypeStruct((BK, D), jnp.float32),
        scratch_types=[
            pltpu.VMEM((n_ch, CH), jnp.int32),
            pltpu.VMEM((NBUF, CH, D), jnp.float32),
        ]
        + [pltpu.SemaphoreType.DMA] * (2 * NBUF),
    )
    def gather_kernel(x_hbm, idx_hbm, out_hbm, idx_v, bufs, *sems):
        gsem, ssem = sems[:NBUF], sems[NBUF:]
        wid = lax.axis_index("s") * NC + lax.axis_index("c")
        base = wid * b_per_w
        pltpu.sync_copy(idx_hbm.at[pl.ds(wid * n_ch, n_ch)], idx_v)
        bN = (base // K) * N
        for r in range(n_ch):
            for col in range(0, CH, 16):
                idx_v[r, pl.ds(col, 16)] = idx_v[r, pl.ds(col, 16)] + bN
        d_g = [None] * NBUF
        d_s = [None] * NBUF
        for c in range(min(NBUF, n_ch)):
            d_g[c] = pltpu.async_copy(x_hbm.at[idx_v.at[c]], bufs.at[c], gsem[c])
        for c in range(n_ch):
            b = c % NBUF
            d_g[b].wait()
            d_s[b] = pltpu.async_copy(
                bufs.at[b], out_hbm.at[pl.ds(base + c * CH, CH)], ssem[b]
            )
            if c + NBUF < n_ch:
                d_s[b].wait()
                d_g[b] = pltpu.async_copy(
                    x_hbm.at[idx_v.at[c + NBUF]], bufs.at[b], gsem[b]
                )
        for c in range(max(0, n_ch - NBUF), n_ch):
            d_s[c % NBUF].wait()

    return gather_kernel(xf, idx2d)


def kernel(x):
    B, N, D = x.shape
    keep_ratio = 1.0 - _DROP_RATIO
    num_keep = max(1, int(N * keep_ratio))
    step = N / num_keep
    base_indices = jnp.arange(num_keep, dtype=jnp.float32) * step
    offs_key = jax.random.key(42)
    offsets = jax.random.uniform(offs_key, (B, num_keep), dtype=jnp.float32) * (step * 0.5)
    indices = (base_indices[None, :] + offsets).astype(jnp.int32)
    indices = jnp.clip(indices, 0, N - 1)

    xf = x.reshape(B * N, D)
    out = _sc_gather(xf, indices, B * num_keep, D, num_keep, N)
    return out.reshape(B, num_keep, D), indices

# --- scband reference (transcript-rebuilt; emitter-appended) ---
"""Pipeline reference for scband-token-dropper-7748121002610 (READ-ONLY COPY).

The authoritative reference and input builder live on the scoring server;
editing this copy changes nothing except your own understanding.
"""

import jax, jax.numpy as jnp
import numpy as np

DROP_RATIO = 0.75

def setup_inputs(seed: int = 0) -> dict:
    key = jax.random.key(seed)
    x = jax.random.normal(key, (4, 8192, 768), dtype=jnp.float32)
    return {"x": x}

def reference(x):
    # Faithful translation of TokenDropper.forward in training mode
    # (structured group-wise subsampling with random within-group offsets).
    B, N, D = x.shape
    drop_ratio = DROP_RATIO
    keep_ratio = 1.0 - drop_ratio
    num_keep = max(1, int(N * keep_ratio))
    step = N / num_keep
    base_indices = jnp.arange(num_keep, dtype=jnp.float32) * step
    offs_key = jax.random.key(42)
    offsets = jax.random.uniform(offs_key, (B, num_keep), dtype=jnp.float32) * (step * 0.5)
    indices = (base_indices[None, :] + offsets).astype(jnp.int32)
    indices = jnp.clip(indices, 0, N - 1)
    indices_expanded = jnp.broadcast_to(indices[:, :, None], (B, num_keep, D))
    x_sparse = jnp.take_along_axis(x, indices_expanded, axis=1)
    return (x_sparse, indices)

if __name__ == "__main__":
    import jax
    _d = setup_inputs()
    print(jax.jit(kernel)(*tuple(_d.values())))

</pallas_src>

<mosaic_0001>
#map = affine_map<(d0, d1) -> (0, 0)>
module attributes {stable_mosaic.version = 14 : i64} {
  func.func @gather_kernel(%arg0: i32, %arg1: i32, %arg2: memref<32768x768xf32, #tpu.memory_space<hbm>>, %arg3: memref<256x32xi32, #tpu.memory_space<hbm>>, %arg4: memref<8192x768xf32, #tpu.memory_space<hbm>>, %arg5: memref<8x32xi32, #tpu.memory_space<vmem>>, %arg6: memref<4x32x768xf32, #tpu.memory_space<vmem>>, %arg7: memref<!tpu.dma_semaphore, #tpu.memory_space<semaphore_mem>>, %arg8: memref<!tpu.dma_semaphore, #tpu.memory_space<semaphore_mem>>, %arg9: memref<!tpu.dma_semaphore, #tpu.memory_space<semaphore_mem>>, %arg10: memref<!tpu.dma_semaphore, #tpu.memory_space<semaphore_mem>>, %arg11: memref<!tpu.dma_semaphore, #tpu.memory_space<semaphore_mem>>, %arg12: memref<!tpu.dma_semaphore, #tpu.memory_space<semaphore_mem>>, %arg13: memref<!tpu.dma_semaphore, #tpu.memory_space<semaphore_mem>>, %arg14: memref<!tpu.dma_semaphore, #tpu.memory_space<semaphore_mem>>) attributes {dimension_semantics = [#tpu.dimension_semantics<core_parallel>, #tpu.dimension_semantics<subcore_parallel>], iteration_bounds = array<i64: 2, 16>, scalar_prefetch = 0 : i64, scratch_operands = 10 : i64, tpu.core_type = #tpu.core_type<sc_vector_subcore>, window_params = [{transform_indices = #map}, {transform_indices = #map}, {transform_indices = #map}]} {
    %mul3A = arith.constant 2 : i32
    %mul3A_0 = arith.muli %arg1, %mul3A : i32
    %add3A = arith.addi %mul3A_0, %arg0 : i32
    %mul3A_1 = arith.constant 256 : i32
    %mul3A_2 = arith.muli %add3A, %mul3A_1 : i32
    %mul3A_3 = arith.constant 8 : i32
    %mul3A_4 = arith.muli %add3A, %mul3A_3 : i32
    "tpu.region"() ({
      %run_scoped3A = tpu.sem_alloc : memref<!tpu.dma_semaphore, #tpu.memory_space<semaphore_mem>>
      %dma_start3A_643 = arith.constant 0 : i32
      %dma_start3A_644 = tpu.memref_slice %arg3[%mul3A_4, %dma_start3A_643] : memref<256x32xi32, #tpu.memory_space<hbm>> -> memref<8x32xi32, #tpu.memory_space<hbm>>
      %dma_start3A_645 = arith.constant 0 : i32
      %dma_start3A_646 = tpu.memref_slice %arg3[%mul3A_4, %dma_start3A_645] : memref<256x32xi32, #tpu.memory_space<hbm>> -> memref<8x32xi32, #tpu.memory_space<hbm>>
      tpu.enqueue_dma source(%dma_start3A_646 : memref<8x32xi32, #tpu.memory_space<hbm>>) target(%arg5 : memref<8x32xi32, #tpu.memory_space<vmem>>) target_semaphore(%run_scoped3A : memref<!tpu.dma_semaphore, #tpu.memory_space<semaphore_mem>>)
      %dma_wait3A_647 = arith.constant 0 : i32
      %dma_wait3A_648 = tpu.memref_slice %arg3[%mul3A_4, %dma_wait3A_647] : memref<256x32xi32, #tpu.memory_space<hbm>> -> memref<8x32xi32, #tpu.memory_space<hbm>>
      %dma_wait3A_649 = arith.constant 0 : i32
      %dma_wait3A_650 = tpu.memref_slice %arg3[%mul3A_4, %dma_wait3A_649] : memref<256x32xi32, #tpu.memory_space<hbm>> -> memref<8x32xi32, #tpu.memory_space<hbm>>
      tpu.wait_dma2 semaphore(%run_scoped3A : memref<!tpu.dma_semaphore, #tpu.memory_space<semaphore_mem>>) src(%dma_wait3A_650 : memref<8x32xi32, #tpu.memory_space<hbm>>) dst(%arg5 : memref<8x32xi32, #tpu.memory_space<vmem>>)
      tpu.yield
    }) : () -> ()
    %jit3A = arith.constant 2048 : i32
    %div3A = arith.divsi %mul3A_2, %jit3A : i32
    %sign3A = arith.constant 0 : i32
    %sign3A_5 = arith.cmpi sgt, %mul3A_2, %sign3A : i32
    %sign3A_6 = arith.extui %sign3A_5 : i1 to i32
    %sign3A_7 = arith.constant 0 : i32
    %sign3A_8 = arith.cmpi slt, %mul3A_2, %sign3A_7 : i32
    %sign3A_9 = arith.extui %sign3A_8 : i1 to i32
    %sign3A_10 = arith.subi %sign3A_6, %sign3A_9 : i32
    %sign3A_11 = arith.constant 0 : i32
    %sign3A_12 = arith.cmpi sgt, %jit3A, %sign3A_11 : i32
    %sign3A_13 = arith.extui %sign3A_12 : i1 to i32
    %sign3A_14 = arith.constant 0 : i32
    %sign3A_15 = arith.cmpi slt, %jit3A, %sign3A_14 : i32
    %sign3A_16 = arith.extui %sign3A_15 : i1 to i32
    %sign3A_17 = arith.subi %sign3A_13, %sign3A_16 : i32
    %ne3A = arith.cmpi ne, %sign3A_10, %sign3A_17 : i32
    %rem3A = arith.remsi %mul3A_2, %jit3A : i32
    %ne3A_18 = arith.constant 0 : i32
    %ne3A_19 = arith.cmpi ne, %rem3A, %ne3A_18 : i32
    %and3A = arith.andi %ne3A, %ne3A_19 : i1
    %sub3A = arith.constant 1 : i32
    %sub3A_20 = arith.subi %div3A, %sub3A : i32
    %select_n3A = arith.select %and3A, %sub3A_20, %div3A : i32
    %mul3A_21 = arith.constant 8192 : i32
    %mul3A_22 = arith.muli %select_n3A, %mul3A_21 : i32
    %get3A = arith.constant 0 : i32
    %get3A_23 = arith.index_cast %get3A : i32 to index
    %get3A_24 = arith.constant 0 : index
    %get3A_25 = tpu.vector_load %arg5[%get3A_23, %get3A_24] {strides = array<i32>} : memref<8x32xi32, #tpu.memory_space<vmem>>, vector<1x16xi32>,
    %get3A_26 = vector.shape_cast %get3A_25 : vector<1x16xi32> to vector<16xi32>
    %add3A_27 = vector.broadcast %mul3A_22 : i32 to vector<16xi32>
    %add3A_28 = arith.addi %get3A_26, %add3A_27 : vector<16xi32>
    %swap3A = arith.constant 0 : i32
    %swap3A_29 = arith.index_cast %swap3A : i32 to index
    %swap3A_30 = arith.constant 0 : index
    %swap3A_31 = tpu.vector_load %arg5[%swap3A_29, %swap3A_30] {strides = array<i32>} : memref<8x32xi32, #tpu.memory_space<vmem>>, vector<1x16xi32>,
    %swap3A_32 = vector.shape_cast %swap3A_31 : vector<1x16xi32> to vector<16xi32>
    %swap3A_33 = vector.shape_cast %add3A_28 : vector<16xi32> to vector<1x16xi32>
    tpu.vector_store %arg5[%swap3A_29, %swap3A_30], %swap3A_33 {strides = array<i32>} : memref<8x32xi32, #tpu.memory_space<vmem>>, vector<1x16xi32>,
    %get3A_34 = arith.constant 0 : i32
    %get3A_35 = arith.index_cast %get3A_34 : i32 to index
    %get3A_36 = arith.constant 16 : index
    %get3A_37 = tpu.vector_load %arg5[%get3A_35, %get3A_36] {strides = array<i32>} : memref<8x32xi32, #tpu.memory_space<vmem>>, vector<1x16xi32>,
    %get3A_38 = vector.shape_cast %get3A_37 : vector<1x16xi32> to vector<16xi32>
    %add3A_39 = vector.broadcast %mul3A_22 : i32 to vector<16xi32>
    %add3A_40 = arith.addi %get3A_38, %add3A_39 : vector<16xi32>
    %swap3A_41 = arith.constant 0 : i32
    %swap3A_42 = arith.index_cast %swap3A_41 : i32 to index
    %swap3A_43 = arith.constant 16 : index
    %swap3A_44 = tpu.vector_load %arg5[%swap3A_42, %swap3A_43] {strides = array<i32>} : memref<8x32xi32, #tpu.memory_space<vmem>>, vector<1x16xi32>,
    %swap3A_45 = vector.shape_cast %swap3A_44 : vector<1x16xi32> to vector<16xi32>
    %swap3A_46 = vector.shape_cast %add3A_40 : vector<16xi32> to vector<1x16xi32>
    tpu.vector_store %arg5[%swap3A_42, %swap3A_43], %swap3A_46 {strides = array<i32>} : memref<8x32xi32, #tpu.memory_space<vmem>>, vector<1x16xi32>,
    %get3A_47 = arith.constant 1 : i32
    %get3A_48 = arith.index_cast %get3A_47 : i32 to index
    %get3A_49 = arith.constant 0 : index
    %get3A_50 = tpu.vector_load %arg5[%get3A_48, %get3A_49] {strides = array<i32>} : memref<8x32xi32, #tpu.memory_space<vmem>>, vector<1x16xi32>,
    %get3A_51 = vector.shape_cast %get3A_50 : vector<1x16xi32> to vector<16xi32>
    %add3A_52 = vector.broadcast %mul3A_22 : i32 to vector<16xi32>
    %add3A_53 = arith.addi %get3A_51, %add3A_52 : vector<16xi32>
    %swap3A_54 = arith.constant 1 : i32
    %swap3A_55 = arith.index_cast %swap3A_54 : i32 to index
    %swap3A_56 = arith.constant 0 : index
    %swap3A_57 = tpu.vector_load %arg5[%swap3A_55, %swap3A_56] {strides = array<i32>} : memref<8x32xi32, #tpu.memory_space<vmem>>, vector<1x16xi32>,
    %swap3A_58 = vector.shape_cast %swap3A_57 : vector<1x16xi32> to vector<16xi32>
    %swap3A_59 = vector.shape_cast %add3A_53 : vector<16xi32> to vector<1x16xi32>
    tpu.vector_store %arg5[%swap3A_55, %swap3A_56], %swap3A_59 {strides = array<i32>} : memref<8x32xi32, #tpu.memory_space<vmem>>, vector<1x16xi32>,
    %get3A_60 = arith.constant 1 : i32
    %get3A_61 = arith.index_cast %get3A_60 : i32 to index
    %get3A_62 = arith.constant 16 : index
    %get3A_63 = tpu.vector_load %arg5[%get3A_61, %get3A_62] {strides = array<i32>} : memref<8x32xi32, #tpu.memory_space<vmem>>, vector<1x16xi32>,
    %get3A_64 = vector.shape_cast %get3A_63 : vector<1x16xi32> to vector<16xi32>
    %add3A_65 = vector.broadcast %mul3A_22 : i32 to vector<16xi32>
    %add3A_66 = arith.addi %get3A_64, %add3A_65 : vector<16xi32>
    %swap3A_67 = arith.constant 1 : i32
    %swap3A_68 = arith.index_cast %swap3A_67 : i32 to index
    %swap3A_69 = arith.constant 16 : index
    %swap3A_70 = tpu.vector_load %arg5[%swap3A_68, %swap3A_69] {strides = array<i32>} : memref<8x32xi32, #tpu.memory_space<vmem>>, vector<1x16xi32>,
    %swap3A_71 = vector.shape_cast %swap3A_70 : vector<1x16xi32> to vector<16xi32>
    %swap3A_72 = vector.shape_cast %add3A_66 : vector<16xi32> to vector<1x16xi32>
    tpu.vector_store %arg5[%swap3A_68, %swap3A_69], %swap3A_72 {strides = array<i32>} : memref<8x32xi32, #tpu.memory_space<vmem>>, vector<1x16xi32>,
    %get3A_73 = arith.constant 2 : i32
    %get3A_74 = arith.index_cast %get3A_73 : i32 to index
    %get3A_75 = arith.constant 0 : index
    %get3A_76 = tpu.vector_load %arg5[%get3A_74, %get3A_75] {strides = array<i32>} : memref<8x32xi32, #tpu.memory_space<vmem>>, vector<1x16xi32>,
    %get3A_77 = vector.shape_cast %get3A_76 : vector<1x16xi32> to vector<16xi32>
    %add3A_78 = vector.broadcast %mul3A_22 : i32 to vector<16xi32>
    %add3A_79 = arith.addi %get3A_77, %add3A_78 : vector<16xi32>
    %swap3A_80 = arith.constant 2 : i32
    %swap3A_81 = arith.index_cast %swap3A_80 : i32 to index
    %swap3A_82 = arith.constant 0 : index
    %swap3A_83 = tpu.vector_load %arg5[%swap3A_81, %swap3A_82] {strides = array<i32>} : memref<8x32xi32, #tpu.memory_space<vmem>>, vector<1x16xi32>,
    %swap3A_84 = vector.shape_cast %swap3A_83 : vector<1x16xi32> to vector<16xi32>
    %swap3A_85 = vector.shape_cast %add3A_79 : vector<16xi32> to vector<1x16xi32>
    tpu.vector_store %arg5[%swap3A_81, %swap3A_82], %swap3A_85 {strides = array<i32>} : memref<8x32xi32, #tpu.memory_space<vmem>>, vector<1x16xi32>,
    %get3A_86 = arith.constant 2 : i32
    %get3A_87 = arith.index_cast %get3A_86 : i32 to index
    %get3A_88 = arith.constant 16 : index
    %get3A_89 = tpu.vector_load %arg5[%get3A_87, %get3A_88] {strides = array<i32>} : memref<8x32xi32, #tpu.memory_space<vmem>>, vector<1x16xi32>,
    %get3A_90 = vector.shape_cast %get3A_89 : vector<1x16xi32> to vector<16xi32>
    %add3A_91 = vector.broadcast %mul3A_22 : i32 to vector<16xi32>
    %add3A_92 = arith.addi %get3A_90, %add3A_91 : vector<16xi32>
    %swap3A_93 = arith.constant 2 : i32
    %swap3A_94 = arith.index_cast %swap3A_93 : i32 to index
    %swap3A_95 = arith.constant 16 : index
    %swap3A_96 = tpu.vector_load %arg5[%swap3A_94, %swap3A_95] {strides = array<i32>} : memref<8x32xi32, #tpu.memory_space<vmem>>, vector<1x16xi32>,
    %swap3A_97 = vector.shape_cast %swap3A_96 : vector<1x16xi32> to vector<16xi32>
    %swap3A_98 = vector.shape_cast %add3A_92 : vector<16xi32> to vector<1x16xi32>
    tpu.vector_store %arg5[%swap3A_94, %swap3A_95], %swap3A_98 {strides = array<i32>} : memref<8x32xi32, #tpu.memory_space<vmem>>, vector<1x16xi32>,
    %get3A_99 = arith.constant 3 : i32
    %get3A_100 = arith.index_cast %get3A_99 : i32 to index
    %get3A_101 = arith.constant 0 : index
    %get3A_102 = tpu.vector_load %arg5[%get3A_100, %get3A_101] {strides = array<i32>} : memref<8x32xi32, #tpu.memory_space<vmem>>, vector<1x16xi32>,
    %get3A_103 = vector.shape_cast %get3A_102 : vector<1x16xi32> to vector<16xi32>
    %add3A_104 = vector.broadcast %mul3A_22 : i32 to vector<16xi32>
    %add3A_105 = arith.addi %get3A_103, %add3A_104 : vector<16xi32>
    %swap3A_106 = arith.constant 3 : i32
    %swap3A_107 = arith.index_cast %swap3A_106 : i32 to index
    %swap3A_108 = arith.constant 0 : index
    %swap3A_109 = tpu.vector_load %arg5[%swap3A_107, %swap3A_108] {strides = array<i32>} : memref<8x32xi32, #tpu.memory_space<vmem>>, vector<1x16xi32>,
    %swap3A_110 = vector.shape_cast %swap3A_109 : vector<1x16xi32> to vector<16xi32>
    %swap3A_111 = vector.shape_cast %add3A_105 : vector<16xi32> to vector<1x16xi32>
    tpu.vector_store %arg5[%swap3A_107, %swap3A_108], %swap3A_111 {strides = array<i32>} : memref<8x32xi32, #tpu.memory_space<vmem>>, vector<1x16xi32>,
    %get3A_112 = arith.constant 3 : i32
    %get3A_113 = arith.index_cast %get3A_112 : i32 to index
    %get3A_114 = arith.constant 16 : index
    %get3A_115 = tpu.vector_load %arg5[%get3A_113, %get3A_114] {strides = array<i32>} : memref<8x32xi32, #tpu.memory_space<vmem>>, vector<1x16xi32>,
    %get3A_116 = vector.shape_cast %get3A_115 : vector<1x16xi32> to vector<16xi32>
    %add3A_117 = vector.broadcast %mul3A_22 : i32 to vector<16xi32>
    %add3A_118 = arith.addi %get3A_116, %add3A_117 : vector<16xi32>
    %swap3A_119 = arith.constant 3 : i32
    %swap3A_120 = arith.index_cast %swap3A_119 : i32 to index
    %swap3A_121 = arith.constant 16 : index
    %swap3A_122 = tpu.vector_load %arg5[%swap3A_120, %swap3A_121] {strides = array<i32>} : memref<8x32xi32, #tpu.memory_space<vmem>>, vector<1x16xi32>,
    %swap3A_123 = vector.shape_cast %swap3A_122 : vector<1x16xi32> to vector<16xi32>
    %swap3A_124 = vector.shape_cast %add3A_118 : vector<16xi32> to vector<1x16xi32>
    tpu.vector_store %arg5[%swap3A_120, %swap3A_121], %swap3A_124 {strides = array<i32>} : memref<8x32xi32, #tpu.memory_space<vmem>>, vector<1x16xi32>,
    %get3A_125 = arith.constant 4 : i32
    %get3A_126 = arith.index_cast %get3A_125 : i32 to index
    %get3A_127 = arith.constant 0 : index
    %get3A_128 = tpu.vector_load %arg5[%get3A_126, %get3A_127] {strides = array<i32>} : memref<8x32xi32, #tpu.memory_space<vmem>>, vector<1x16xi32>,
    %get3A_129 = vector.shape_cast %get3A_128 : vector<1x16xi32> to vector<16xi32>
    %add3A_130 = vector.broadcast %mul3A_22 : i32 to vector<16xi32>
    %add3A_131 = arith.addi %get3A_129, %add3A_130 : vector<16xi32>
    %swap3A_132 = arith.constant 4 : i32
    %swap3A_133 = arith.index_cast %swap3A_132 : i32 to index
    %swap3A_134 = arith.constant 0 : index
    %swap3A_135 = tpu.vector_load %arg5[%swap3A_133, %swap3A_134] {strides = array<i32>} : memref<8x32xi32, #tpu.memory_space<vmem>>, vector<1x16xi32>,
    %swap3A_136 = vector.shape_cast %swap3A_135 : vector<1x16xi32> to vector<16xi32>
    %swap3A_137 = vector.shape_cast %add3A_131 : vector<16xi32> to vector<1x16xi32>
    tpu.vector_store %arg5[%swap3A_133, %swap3A_134], %swap3A_137 {strides = array<i32>} : memref<8x32xi32, #tpu.memory_space<vmem>>, vector<1x16xi32>,
    %get3A_138 = arith.constant 4 : i32
    %get3A_139 = arith.index_cast %get3A_138 : i32 to index
    %get3A_140 = arith.constant 16 : index
    %get3A_141 = tpu.vector_load %arg5[%get3A_139, %get3A_140] {strides = array<i32>} : memref<8x32xi32, #tpu.memory_space<vmem>>, vector<1x16xi32>,
    %get3A_142 = vector.shape_cast %get3A_141 : vector<1x16xi32> to vector<16xi32>
    %add3A_143 = vector.broadcast %mul3A_22 : i32 to vector<16xi32>
    %add3A_144 = arith.addi %get3A_142, %add3A_143 : vector<16xi32>
    %swap3A_145 = arith.constant 4 : i32
    %swap3A_146 = arith.index_cast %swap3A_145 : i32 to index
    %swap3A_147 = arith.constant 16 : index
    %swap3A_148 = tpu.vector_load %arg5[%swap3A_146, %swap3A_147] {strides = array<i32>} : memref<8x32xi32, #tpu.memory_space<vmem>>, vector<1x16xi32>,
    %swap3A_149 = vector.shape_cast %swap3A_148 : vector<1x16xi32> to vector<16xi32>
    %swap3A_150 = vector.shape_cast %add3A_144 : vector<16xi32> to vector<1x16xi32>
    tpu.vector_store %arg5[%swap3A_146, %swap3A_147], %swap3A_150 {strides = array<i32>} : memref<8x32xi32, #tpu.memory_space<vmem>>, vector<1x16xi32>,
    %get3A_151 = arith.constant 5 : i32
    %get3A_152 = arith.index_cast %get3A_151 : i32 to index
    %get3A_153 = arith.constant 0 : index
    %get3A_154 = tpu.vector_load %arg5[%get3A_152, %get3A_153] {strides = array<i32>} : memref<8x32xi32, #tpu.memory_space<vmem>>, vector<1x16xi32>,
    %get3A_155 = vector.shape_cast %get3A_154 : vector<1x16xi32> to vector<16xi32>
    %add3A_156 = vector.broadcast %mul3A_22 : i32 to vector<16xi32>
    %add3A_157 = arith.addi %get3A_155, %add3A_156 : vector<16xi32>
    %swap3A_158 = arith.constant 5 : i32
    %swap3A_159 = arith.index_cast %swap3A_158 : i32 to index
    %swap3A_160 = arith.constant 0 : index
    %swap3A_161 = tpu.vector_load %arg5[%swap3A_159, %swap3A_160] {strides = array<i32>} : memref<8x32xi32, #tpu.memory_space<vmem>>, vector<1x16xi32>,
    %swap3A_162 = vector.shape_cast %swap3A_161 : vector<1x16xi32> to vector<16xi32>
    %swap3A_163 = vector.shape_cast %add3A_157 : vector<16xi32> to vector<1x16xi32>
    tpu.vector_store %arg5[%swap3A_159, %swap3A_160], %swap3A_163 {strides = array<i32>} : memref<8x32xi32, #tpu.memory_space<vmem>>, vector<1x16xi32>,
    %get3A_164 = arith.constant 5 : i32
    %get3A_165 = arith.index_cast %get3A_164 : i32 to index
    %get3A_166 = arith.constant 16 : index
    %get3A_167 = tpu.vector_load %arg5[%get3A_165, %get3A_166] {strides = array<i32>} : memref<8x32xi32, #tpu.memory_space<vmem>>, vector<1x16xi32>,
    %get3A_168 = vector.shape_cast %get3A_167 : vector<1x16xi32> to vector<16xi32>
    %add3A_169 = vector.broadcast %mul3A_22 : i32 to vector<16xi32>
    %add3A_170 = arith.addi %get3A_168, %add3A_169 : vector<16xi32>
    %swap3A_171 = arith.constant 5 : i32
    %swap3A_172 = arith.index_cast %swap3A_171 : i32 to index
    %swap3A_173 = arith.constant 16 : index
    %swap3A_174 = tpu.vector_load %arg5[%swap3A_172, %swap3A_173] {strides = array<i32>} : memref<8x32xi32, #tpu.memory_space<vmem>>, vector<1x16xi32>,
    %swap3A_175 = vector.shape_cast %swap3A_174 : vector<1x16xi32> to vector<16xi32>
    %swap3A_176 = vector.shape_cast %add3A_170 : vector<16xi32> to vector<1x16xi32>
    tpu.vector_store %arg5[%swap3A_172, %swap3A_173], %swap3A_176 {strides = array<i32>} : memref<8x32xi32, #tpu.memory_space<vmem>>, vector<1x16xi32>,
    %get3A_177 = arith.constant 6 : i32
    %get3A_178 = arith.index_cast %get3A_177 : i32 to index
    %get3A_179 = arith.constant 0 : index
    %get3A_180 = tpu.vector_load %arg5[%get3A_178, %get3A_179] {strides = array<i32>} : memref<8x32xi32, #tpu.memory_space<vmem>>, vector<1x16xi32>,
    %get3A_181 = vector.shape_cast %get3A_180 : vector<1x16xi32> to vector<16xi32>
    %add3A_182 = vector.broadcast %mul3A_22 : i32 to vector<16xi32>
    %add3A_183 = arith.addi %get3A_181, %add3A_182 : vector<16xi32>
    %swap3A_184 = arith.constant 6 : i32
    %swap3A_185 = arith.index_cast %swap3A_184 : i32 to index
    %swap3A_186 = arith.constant 0 : index
    %swap3A_187 = tpu.vector_load %arg5[%swap3A_185, %swap3A_186] {strides = array<i32>} : memref<8x32xi32, #tpu.memory_space<vmem>>, vector<1x16xi32>,
    %swap3A_188 = vector.shape_cast %swap3A_187 : vector<1x16xi32> to vector<16xi32>
    %swap3A_189 = vector.shape_cast %add3A_183 : vector<16xi32> to vector<1x16xi32>
    tpu.vector_store %arg5[%swap3A_185, %swap3A_186], %swap3A_189 {strides = array<i32>} : memref<8x32xi32, #tpu.memory_space<vmem>>, vector<1x16xi32>,
    %get3A_190 = arith.constant 6 : i32
    %get3A_191 = arith.index_cast %get3A_190 : i32 to index
    %get3A_192 = arith.constant 16 : index
    %get3A_193 = tpu.vector_load %arg5[%get3A_191, %get3A_192] {strides = array<i32>} : memref<8x32xi32, #tpu.memory_space<vmem>>, vector<1x16xi32>,
    %get3A_194 = vector.shape_cast %get3A_193 : vector<1x16xi32> to vector<16xi32>
    %add3A_195 = vector.broadcast %mul3A_22 : i32 to vector<16xi32>
    %add3A_196 = arith.addi %get3A_194, %add3A_195 : vector<16xi32>
    %swap3A_197 = arith.constant 6 : i32
    %swap3A_198 = arith.index_cast %swap3A_197 : i32 to index
    %swap3A_199 = arith.constant 16 : index
    %swap3A_200 = tpu.vector_load %arg5[%swap3A_198, %swap3A_199] {strides = array<i32>} : memref<8x32xi32, #tpu.memory_space<vmem>>, vector<1x16xi32>,
    %swap3A_201 = vector.shape_cast %swap3A_200 : vector<1x16xi32> to vector<16xi32>
    %swap3A_202 = vector.shape_cast %add3A_196 : vector<16xi32> to vector<1x16xi32>
    tpu.vector_store %arg5[%swap3A_198, %swap3A_199], %swap3A_202 {strides = array<i32>} : memref<8x32xi32, #tpu.memory_space<vmem>>, vector<1x16xi32>,
    %get3A_203 = arith.constant 7 : i32
    %get3A_204 = arith.index_cast %get3A_203 : i32 to index
    %get3A_205 = arith.constant 0 : index
    %get3A_206 = tpu.vector_load %arg5[%get3A_204, %get3A_205] {strides = array<i32>} : memref<8x32xi32, #tpu.memory_space<vmem>>, vector<1x16xi32>,
    %get3A_207 = vector.shape_cast %get3A_206 : vector<1x16xi32> to vector<16xi32>
    %add3A_208 = vector.broadcast %mul3A_22 : i32 to vector<16xi32>
    %add3A_209 = arith.addi %get3A_207, %add3A_208 : vector<16xi32>
    %swap3A_210 = arith.constant 7 : i32
    %swap3A_211 = arith.index_cast %swap3A_210 : i32 to index
    %swap3A_212 = arith.constant 0 : index
    %swap3A_213 = tpu.vector_load %arg5[%swap3A_211, %swap3A_212] {strides = array<i32>} : memref<8x32xi32, #tpu.memory_space<vmem>>, vector<1x16xi32>,
    %swap3A_214 = vector.shape_cast %swap3A_213 : vector<1x16xi32> to vector<16xi32>
    %swap3A_215 = vector.shape_cast %add3A_209 : vector<16xi32> to vector<1x16xi32>
    tpu.vector_store %arg5[%swap3A_211, %swap3A_212], %swap3A_215 {strides = array<i32>} : memref<8x32xi32, #tpu.memory_space<vmem>>, vector<1x16xi32>,
    %get3A_216 = arith.constant 7 : i32
    %get3A_217 = arith.index_cast %get3A_216 : i32 to index
    %get3A_218 = arith.constant 16 : index
    %get3A_219 = tpu.vector_load %arg5[%get3A_217, %get3A_218] {strides = array<i32>} : memref<8x32xi32, #tpu.memory_space<vmem>>, vector<1x16xi32>,
    %get3A_220 = vector.shape_cast %get3A_219 : vector<1x16xi32> to vector<16xi32>
    %add3A_221 = vector.broadcast %mul3A_22 : i32 to vector<16xi32>
    %add3A_222 = arith.addi %get3A_220, %add3A_221 : vector<16xi32>
    %swap3A_223 = arith.constant 7 : i32
    %swap3A_224 = arith.index_cast %swap3A_223 : i32 to index
    %swap3A_225 = arith.constant 16 : index
    %swap3A_226 = tpu.vector_load %arg5[%swap3A_224, %swap3A_225] {strides = array<i32>} : memref<8x32xi32, #tpu.memory_space<vmem>>, vector<1x16xi32>,
    %swap3A_227 = vector.shape_cast %swap3A_226 : vector<1x16xi32> to vector<16xi32>
    %swap3A_228 = vector.shape_cast %add3A_222 : vector<16xi32> to vector<1x16xi32>
    tpu.vector_store %arg5[%swap3A_224, %swap3A_225], %swap3A_228 {strides = array<i32>} : memref<8x32xi32, #tpu.memory_space<vmem>>, vector<1x16xi32>,
    %dma_start3A = arith.constant 0 : i32
    %dma_start3A_229 = arith.constant 0 : i32
    %dma_start3A_230 = arith.constant 0 : i32
    %dma_start3A_231 = arith.constant 0 : i32
    %dma_start3A_232 = tpu.memref_slice %arg6[%dma_start3A_229, %dma_start3A_230, %dma_start3A_231] : memref<4x32x768xf32, #tpu.memory_space<vmem>> -> memref<1x32x768xf32, #tpu.memory_space<vmem>>
    %dma_start3A_233 = tpu.memref_squeeze %dma_start3A_232 : memref<1x32x768xf32, #tpu.memory_space<vmem>> -> memref<32x768xf32, #tpu.memory_space<vmem>>
    %dma_start3A_234 = arith.constant 0 : i32
    %dma_start3A_235 = tpu.memref_slice %arg5[%dma_start3A, %dma_start3A_234] : memref<8x32xi32, #tpu.memory_space<vmem>> -> memref<1x32xi32, #tpu.memory_space<vmem>>
    %dma_start3A_236 = tpu.memref_squeeze %dma_start3A_235 : memref<1x32xi32, #tpu.memory_space<vmem>> -> memref<32xi32, #tpu.memory_space<vmem>>
    %dma_start3A_237 = arith.constant 0 : i32
    %dma_start3A_238 = arith.constant 0 : i32
    %dma_start3A_239 = tpu.memref_slice %arg2[%dma_start3A_237, %dma_start3A_238] : memref<32768x768xf32, #tpu.memory_space<hbm>> -> memref<32768x768xf32, #tpu.memory_space<hbm>>
    tpu.enqueue_indirect_dma source(%dma_start3A_239 : memref<32768x768xf32, #tpu.memory_space<hbm>>) target(%dma_start3A_233 : memref<32x768xf32, #tpu.memory_space<vmem>>) offsets(%dma_start3A_236 : memref<32xi32, #tpu.memory_space<vmem>>) semaphore(%arg7 : memref<!tpu.dma_semaphore, #tpu.memory_space<semaphore_mem>>)
    %dma_start3A_240 = arith.constant 1 : i32
    %dma_start3A_241 = arith.constant 1 : i32
    %dma_start3A_242 = arith.constant 0 : i32
    %dma_start3A_243 = arith.constant 0 : i32
    %dma_start3A_244 = tpu.memref_slice %arg6[%dma_start3A_241, %dma_start3A_242, %dma_start3A_243] : memref<4x32x768xf32, #tpu.memory_space<vmem>> -> memref<1x32x768xf32, #tpu.memory_space<vmem>>
    %dma_start3A_245 = tpu.memref_squeeze %dma_start3A_244 : memref<1x32x768xf32, #tpu.memory_space<vmem>> -> memref<32x768xf32, #tpu.memory_space<vmem>>
    %dma_start3A_246 = arith.constant 0 : i32
    %dma_start3A_247 = tpu.memref_slice %arg5[%dma_start3A_240, %dma_start3A_246] : memref<8x32xi32, #tpu.memory_space<vmem>> -> memref<1x32xi32, #tpu.memory_space<vmem>>
    %dma_start3A_248 = tpu.memref_squeeze %dma_start3A_247 : memref<1x32xi32, #tpu.memory_space<vmem>> -> memref<32xi32, #tpu.memory_space<vmem>>
    %dma_start3A_249 = arith.constant 0 : i32
    %dma_start3A_250 = arith.constant 0 : i32
    %dma_start3A_251 = tpu.memref_slice %arg2[%dma_start3A_249, %dma_start3A_250] : memref<32768x768xf32, #tpu.memory_space<hbm>> -> memref<32768x768xf32, #tpu.memory_space<hbm>>
    tpu.enqueue_indirect_dma source(%dma_start3A_251 : memref<32768x768xf32, #tpu.memory_space<hbm>>) target(%dma_start3A_245 : memref<32x768xf32, #tpu.memory_space<vmem>>) offsets(%dma_start3A_248 : memref<32xi32, #tpu.memory_space<vmem>>) semaphore(%arg8 : memref<!tpu.dma_semaphore, #tpu.memory_space<semaphore_mem>>)
    %dma_start3A_252 = arith.constant 2 : i32
    %dma_start3A_253 = arith.constant 2 : i32
    %dma_start3A_254 = arith.constant 0 : i32
    %dma_start3A_255 = arith.constant 0 : i32
    %dma_start3A_256 = tpu.memref_slice %arg6[%dma_start3A_253, %dma_start3A_254, %dma_start3A_255] : memref<4x32x768xf32, #tpu.memory_space<vmem>> -> memref<1x32x768xf32, #tpu.memory_space<vmem>>
    %dma_start3A_257 = tpu.memref_squeeze %dma_start3A_256 : memref<1x32x768xf32, #tpu.memory_space<vmem>> -> memref<32x768xf32, #tpu.memory_space<vmem>>
    %dma_start3A_258 = arith.constant 0 : i32
    %dma_start3A_259 = tpu.memref_slice %arg5[%dma_start3A_252, %dma_start3A_258] : memref<8x32xi32, #tpu.memory_space<vmem>> -> memref<1x32xi32, #tpu.memory_space<vmem>>
    %dma_start3A_260 = tpu.memref_squeeze %dma_start3A_259 : memref<1x32xi32, #tpu.memory_space<vmem>> -> memref<32xi32, #tpu.memory_space<vmem>>
    %dma_start3A_261 = arith.constant 0 : i32
    %dma_start3A_262 = arith.constant 0 : i32
    %dma_start3A_263 = tpu.memref_slice %arg2[%dma_start3A_261, %dma_start3A_262] : memref<32768x768xf32, #tpu.memory_space<hbm>> -> memref<32768x768xf32, #tpu.memory_space<hbm>>
    tpu.enqueue_indirect_dma source(%dma_start3A_263 : memref<32768x768xf32, #tpu.memory_space<hbm>>) target(%dma_start3A_257 : memref<32x768xf32, #tpu.memory_space<vmem>>) offsets(%dma_start3A_260 : memref<32xi32, #tpu.memory_space<vmem>>) semaphore(%arg9 : memref<!tpu.dma_semaphore, #tpu.memory_space<semaphore_mem>>)
    %dma_start3A_264 = arith.constant 3 : i32
    %dma_start3A_265 = arith.constant 3 : i32
    %dma_start3A_266 = arith.constant 0 : i32
    %dma_start3A_267 = arith.constant 0 : i32
    %dma_start3A_268 = tpu.memref_slice %arg6[%dma_start3A_265, %dma_start3A_266, %dma_start3A_267] : memref<4x32x768xf32, #tpu.memory_space<vmem>> -> memref<1x32x768xf32, #tpu.memory_space<vmem>>
    %dma_start3A_269 = tpu.memref_squeeze %dma_start3A_268 : memref<1x32x768xf32, #tpu.memory_space<vmem>> -> memref<32x768xf32, #tpu.memory_space<vmem>>
    %dma_start3A_270 = arith.constant 0 : i32
    %dma_start3A_271 = tpu.memref_slice %arg5[%dma_start3A_264, %dma_start3A_270] : memref<8x32xi32, #tpu.memory_space<vmem>> -> memref<1x32xi32, #tpu.memory_space<vmem>>
    %dma_start3A_272 = tpu.memref_squeeze %dma_start3A_271 : memref<1x32xi32, #tpu.memory_space<vmem>> -> memref<32xi32, #tpu.memory_space<vmem>>
    %dma_start3A_273 = arith.constant 0 : i32
    %dma_start3A_274 = arith.constant 0 : i32
    %dma_start3A_275 = tpu.memref_slice %arg2[%dma_start3A_273, %dma_start3A_274] : memref<32768x768xf32, #tpu.memory_space<hbm>> -> memref<32768x768xf32, #tpu.memory_space<hbm>>
    tpu.enqueue_indirect_dma source(%dma_start3A_275 : memref<32768x768xf32, #tpu.memory_space<hbm>>) target(%dma_start3A_269 : memref<32x768xf32, #tpu.memory_space<vmem>>) offsets(%dma_start3A_272 : memref<32xi32, #tpu.memory_space<vmem>>) semaphore(%arg10 : memref<!tpu.dma_semaphore, #tpu.memory_space<semaphore_mem>>)
    %dma_wait3A = arith.constant 0 : i32
    %dma_wait3A_276 = arith.constant 0 : i32
    %dma_wait3A_277 = arith.constant 0 : i32
    %dma_wait3A_278 = arith.constant 0 : i32
    %dma_wait3A_279 = tpu.memref_slice %arg6[%dma_wait3A_276, %dma_wait3A_277, %dma_wait3A_278] : memref<4x32x768xf32, #tpu.memory_space<vmem>> -> memref<1x32x768xf32, #tpu.memory_space<vmem>>
    %dma_wait3A_280 = tpu.memref_squeeze %dma_wait3A_279 : memref<1x32x768xf32, #tpu.memory_space<vmem>> -> memref<32x768xf32, #tpu.memory_space<vmem>>
    %dma_wait3A_281 = arith.constant 0 : i32
    %dma_wait3A_282 = tpu.memref_slice %arg5[%dma_wait3A, %dma_wait3A_281] : memref<8x32xi32, #tpu.memory_space<vmem>> -> memref<1x32xi32, #tpu.memory_space<vmem>>
    %dma_wait3A_283 = tpu.memref_squeeze %dma_wait3A_282 : memref<1x32xi32, #tpu.memory_space<vmem>> -> memref<32xi32, #tpu.memory_space<vmem>>
    %dma_wait3A_284 = arith.constant 0 : i32
    %dma_wait3A_285 = arith.constant 0 : i32
    %dma_wait3A_286 = tpu.memref_slice %arg2[%dma_wait3A_284, %dma_wait3A_285] : memref<32768x768xf32, #tpu.memory_space<hbm>> -> memref<32768x768xf32, #tpu.memory_space<hbm>>
    tpu.wait_indirect_dma semaphore(%arg7 : memref<!tpu.dma_semaphore, #tpu.memory_space<semaphore_mem>>) src(%dma_wait3A_286 : memref<32768x768xf32, #tpu.memory_space<hbm>>) dst(%dma_wait3A_280 : memref<32x768xf32, #tpu.memory_space<vmem>>)
    %add3A_287 = arith.constant 0 : i32
    %add3A_288 = arith.addi %mul3A_2, %add3A_287 : i32
    %dma_start3A_289 = arith.constant 0 : i32
    %dma_start3A_290 = arith.constant 0 : i32
    %dma_start3A_291 = arith.constant 0 : i32
    %dma_start3A_292 = tpu.memref_slice %arg6[%dma_start3A_289, %dma_start3A_290, %dma_start3A_291] : memref<4x32x768xf32, #tpu.memory_space<vmem>> -> memref<1x32x768xf32, #tpu.memory_space<vmem>>
    %dma_start3A_293 = tpu.memref_squeeze %dma_start3A_292 : memref<1x32x768xf32, #tpu.memory_space<vmem>> -> memref<32x768xf32, #tpu.memory_space<vmem>>
    %dma_start3A_294 = arith.constant 0 : i32
    %dma_start3A_295 = tpu.memref_slice %arg4[%add3A_288, %dma_start3A_294] : memref<8192x768xf32, #tpu.memory_space<hbm>> -> memref<32x768xf32, #tpu.memory_space<hbm>>
    %dma_start3A_296 = arith.constant 0 : i32
    %dma_start3A_297 = tpu.memref_slice %arg4[%add3A_288, %dma_start3A_296] : memref<8192x768xf32, #tpu.memory_space<hbm>> -> memref<32x768xf32, #tpu.memory_space<hbm>>
    %dma_start3A_298 = arith.constant 0 : i32
    %dma_start3A_299 = arith.constant 0 : i32
    %dma_start3A_300 = tpu.memref_slice %arg6[%dma_start3A_289, %dma_start3A_298, %dma_start3A_299] : memref<4x32x768xf32, #tpu.memory_space<vmem>> -> memref<1x32x768xf32, #tpu.memory_space<vmem>>
    %dma_start3A_301 = tpu.memref_squeeze %dma_start3A_300 : memref<1x32x768xf32, #tpu.memory_space<vmem>> -> memref<32x768xf32, #tpu.memory_space<vmem>>
    tpu.enqueue_dma source(%dma_start3A_301 : memref<32x768xf32, #tpu.memory_space<vmem>>) target(%dma_start3A_297 : memref<32x768xf32, #tpu.memory_space<hbm>>) target_semaphore(%arg11 : memref<!tpu.dma_semaphore, #tpu.memory_space<semaphore_mem>>)
    %dma_wait3A_302 = arith.constant 0 : i32
    %dma_wait3A_303 = arith.constant 0 : i32
    %dma_wait3A_304 = arith.constant 0 : i32
    %dma_wait3A_305 = tpu.memref_slice %arg6[%dma_wait3A_302, %dma_wait3A_303, %dma_wait3A_304] : memref<4x32x768xf32, #tpu.memory_space<vmem>> -> memref<1x32x768xf32, #tpu.memory_space<vmem>>
    %dma_wait3A_306 = tpu.memref_squeeze %dma_wait3A_305 : memref<1x32x768xf32, #tpu.memory_space<vmem>> -> memref<32x768xf32, #tpu.memory_space<vmem>>
    %dma_wait3A_307 = arith.constant 0 : i32
    %dma_wait3A_308 = tpu.memref_slice %arg4[%add3A_288, %dma_wait3A_307] : memref<8192x768xf32, #tpu.memory_space<hbm>> -> memref<32x768xf32, #tpu.memory_space<hbm>>
    %dma_wait3A_309 = arith.constant 0 : i32
    %dma_wait3A_310 = tpu.memref_slice %arg4[%add3A_288, %dma_wait3A_309] : memref<8192x768xf32, #tpu.memory_space<hbm>> -> memref<32x768xf32, #tpu.memory_space<hbm>>
    %dma_wait3A_311 = arith.constant 0 : i32
    %dma_wait3A_312 = arith.constant 0 : i32
    %dma_wait3A_313 = tpu.memref_slice %arg6[%dma_wait3A_302, %dma_wait3A_311, %dma_wait3A_312] : memref<4x32x768xf32, #tpu.memory_space<vmem>> -> memref<1x32x768xf32, #tpu.memory_space<vmem>>
    %dma_wait3A_314 = tpu.memref_squeeze %dma_wait3A_313 : memref<1x32x768xf32, #tpu.memory_space<vmem>> -> memref<32x768xf32, #tpu.memory_space<vmem>>
    tpu.wait_dma2 semaphore(%arg11 : memref<!tpu.dma_semaphore, #tpu.memory_space<semaphore_mem>>) src(%dma_wait3A_314 : memref<32x768xf32, #tpu.memory_space<vmem>>) dst(%dma_wait3A_310 : memref<32x768xf32, #tpu.memory_space<hbm>>)
    %dma_start3A_315 = arith.constant 4 : i32
    %dma_start3A_316 = arith.constant 0 : i32
    %dma_start3A_317 = arith.constant 0 : i32
    %dma_start3A_318 = arith.constant 0 : i32
    %dma_start3A_319 = tpu.memref_slice %arg6[%dma_start3A_316, %dma_start3A_317, %dma_start3A_318] : memref<4x32x768xf32, #tpu.memory_space<vmem>> -> memref<1x32x768xf32, #tpu.memory_space<vmem>>
    %dma_start3A_320 = tpu.memref_squeeze %dma_start3A_319 : memref<1x32x768xf32, #tpu.memory_space<vmem>> -> memref<32x768xf32, #tpu.memory_space<vmem>>
    %dma_start3A_321 = arith.constant 0 : i32
    %dma_start3A_322 = tpu.memref_slice %arg5[%dma_start3A_315, %dma_start3A_321] : memref<8x32xi32, #tpu.memory_space<vmem>> -> memref<1x32xi32, #tpu.memory_space<vmem>>
    %dma_start3A_323 = tpu.memref_squeeze %dma_start3A_322 : memref<1x32xi32, #tpu.memory_space<vmem>> -> memref<32xi32, #tpu.memory_space<vmem>>
    %dma_start3A_324 = arith.constant 0 : i32
    %dma_start3A_325 = arith.constant 0 : i32
    %dma_start3A_326 = tpu.memref_slice %arg2[%dma_start3A_324, %dma_start3A_325] : memref<32768x768xf32, #tpu.memory_space<hbm>> -> memref<32768x768xf32, #tpu.memory_space<hbm>>
    tpu.enqueue_indirect_dma source(%dma_start3A_326 : memref<32768x768xf32, #tpu.memory_space<hbm>>) target(%dma_start3A_320 : memref<32x768xf32, #tpu.memory_space<vmem>>) offsets(%dma_start3A_323 : memref<32xi32, #tpu.memory_space<vmem>>) semaphore(%arg7 : memref<!tpu.dma_semaphore, #tpu.memory_space<semaphore_mem>>)
    %dma_wait3A_327 = arith.constant 1 : i32
    %dma_wait3A_328 = arith.constant 1 : i32
    %dma_wait3A_329 = arith.constant 0 : i32
    %dma_wait3A_330 = arith.constant 0 : i32
    %dma_wait3A_331 = tpu.memref_slice %arg6[%dma_wait3A_328, %dma_wait3A_329, %dma_wait3A_330] : memref<4x32x768xf32, #tpu.memory_space<vmem>> -> memref<1x32x768xf32, #tpu.memory_space<vmem>>
    %dma_wait3A_332 = tpu.memref_squeeze %dma_wait3A_331 : memref<1x32x768xf32, #tpu.memory_space<vmem>> -> memref<32x768xf32, #tpu.memory_space<vmem>>
    %dma_wait3A_333 = arith.constant 0 : i32
    %dma_wait3A_334 = tpu.memref_slice %arg5[%dma_wait3A_327, %dma_wait3A_333] : memref<8x32xi32, #tpu.memory_space<vmem>> -> memref<1x32xi32, #tpu.memory_space<vmem>>
    %dma_wait3A_335 = tpu.memref_squeeze %dma_wait3A_334 : memref<1x32xi32, #tpu.memory_space<vmem>> -> memref<32xi32, #tpu.memory_space<vmem>>
    %dma_wait3A_336 = arith.constant 0 : i32
    %dma_wait3A_337 = arith.constant 0 : i32
    %dma_wait3A_338 = tpu.memref_slice %arg2[%dma_wait3A_336, %dma_wait3A_337] : memref<32768x768xf32, #tpu.memory_space<hbm>> -> memref<32768x768xf32, #tpu.memory_space<hbm>>
    tpu.wait_indirect_dma semaphore(%arg8 : memref<!tpu.dma_semaphore, #tpu.memory_space<semaphore_mem>>) src(%dma_wait3A_338 : memref<32768x768xf32, #tpu.memory_space<hbm>>) dst(%dma_wait3A_332 : memref<32x768xf32, #tpu.memory_space<vmem>>)
    %add3A_339 = arith.constant 32 : i32
    %add3A_340 = arith.addi %mul3A_2, %add3A_339 : i32
    %dma_start3A_341 = arith.constant 1 : i32
    %dma_start3A_342 = arith.constant 0 : i32
    %dma_start3A_343 = arith.constant 0 : i32
    %dma_start3A_344 = tpu.memref_slice %arg6[%dma_start3A_341, %dma_start3A_342, %dma_start3A_343] : memref<4x32x768xf32, #tpu.memory_space<vmem>> -> memref<1x32x768xf32, #tpu.memory_space<vmem>>
    %dma_start3A_345 = tpu.memref_squeeze %dma_start3A_344 : memref<1x32x768xf32, #tpu.memory_space<vmem>> -> memref<32x768xf32, #tpu.memory_space<vmem>>
    %dma_start3A_346 = arith.constant 0 : i32
    %dma_start3A_347 = tpu.memref_slice %arg4[%add3A_340, %dma_start3A_346] : memref<8192x768xf32, #tpu.memory_space<hbm>> -> memref<32x768xf32, #tpu.memory_space<hbm>>
    %dma_start3A_348 = arith.constant 0 : i32
    %dma_start3A_349 = tpu.memref_slice %arg4[%add3A_340, %dma_start3A_348] : memref<8192x768xf32, #tpu.memory_space<hbm>> -> memref<32x768xf32, #tpu.memory_space<hbm>>
    %dma_start3A_350 = arith.constant 0 : i32
    %dma_start3A_351 = arith.constant 0 : i32
    %dma_start3A_352 = tpu.memref_slice %arg6[%dma_start3A_341, %dma_start3A_350, %dma_start3A_351] : memref<4x32x768xf32, #tpu.memory_space<vmem>> -> memref<1x32x768xf32, #tpu.memory_space<vmem>>
    %dma_start3A_353 = tpu.memref_squeeze %dma_start3A_352 : memref<1x32x768xf32, #tpu.memory_space<vmem>> -> memref<32x768xf32, #tpu.memory_space<vmem>>
    tpu.enqueue_dma source(%dma_start3A_353 : memref<32x768xf32, #tpu.memory_space<vmem>>) target(%dma_start3A_349 : memref<32x768xf32, #tpu.memory_space<hbm>>) target_semaphore(%arg12 : memref<!tpu.dma_semaphore, #tpu.memory_space<semaphore_mem>>)
    %dma_wait3A_354 = arith.constant 1 : i32
    %dma_wait3A_355 = arith.constant 0 : i32
    %dma_wait3A_356 = arith.constant 0 : i32
    %dma_wait3A_357 = tpu.memref_slice %arg6[%dma_wait3A_354, %dma_wait3A_355, %dma_wait3A_356] : memref<4x32x768xf32, #tpu.memory_space<vmem>> -> memref<1x32x768xf32, #tpu.memory_space<vmem>>
    %dma_wait3A_358 = tpu.memref_squeeze %dma_wait3A_357 : memref<1x32x768xf32, #tpu.memory_space<vmem>> -> memref<32x768xf32, #tpu.memory_space<vmem>>
    %dma_wait3A_359 = arith.constant 0 : i32
    %dma_wait3A_360 = tpu.memref_slice %arg4[%add3A_340, %dma_wait3A_359] : memref<8192x768xf32, #tpu.memory_space<hbm>> -> memref<32x768xf32, #tpu.memory_space<hbm>>
    %dma_wait3A_361 = arith.constant 0 : i32
    %dma_wait3A_362 = tpu.memref_slice %arg4[%add3A_340, %dma_wait3A_361] : memref<8192x768xf32, #tpu.memory_space<hbm>> -> memref<32x768xf32, #tpu.memory_space<hbm>>
    %dma_wait3A_363 = arith.constant 0 : i32
    %dma_wait3A_364 = arith.constant 0 : i32
    %dma_wait3A_365 = tpu.memref_slice %arg6[%dma_wait3A_354, %dma_wait3A_363, %dma_wait3A_364] : memref<4x32x768xf32, #tpu.memory_space<vmem>> -> memref<1x32x768xf32, #tpu.memory_space<vmem>>
    %dma_wait3A_366 = tpu.memref_squeeze %dma_wait3A_365 : memref<1x32x768xf32, #tpu.memory_space<vmem>> -> memref<32x768xf32, #tpu.memory_space<vmem>>
    tpu.wait_dma2 semaphore(%arg12 : memref<!tpu.dma_semaphore, #tpu.memory_space<semaphore_mem>>) src(%dma_wait3A_366 : memref<32x768xf32, #tpu.memory_space<vmem>>) dst(%dma_wait3A_362 : memref<32x768xf32, #tpu.memory_space<hbm>>)
    %dma_start3A_367 = arith.constant 5 : i32
    %dma_start3A_368 = arith.constant 1 : i32
    %dma_start3A_369 = arith.constant 0 : i32
    %dma_start3A_370 = arith.constant 0 : i32
    %dma_start3A_371 = tpu.memref_slice %arg6[%dma_start3A_368, %dma_start3A_369, %dma_start3A_370] : memref<4x32x768xf32, #tpu.memory_space<vmem>> -> memref<1x32x768xf32, #tpu.memory_space<vmem>>
    %dma_start3A_372 = tpu.memref_squeeze %dma_start3A_371 : memref<1x32x768xf32, #tpu.memory_space<vmem>> -> memref<32x768xf32, #tpu.memory_space<vmem>>
    %dma_start3A_373 = arith.constant 0 : i32
    %dma_start3A_374 = tpu.memref_slice %arg5[%dma_start3A_367, %dma_start3A_373] : memref<8x32xi32, #tpu.memory_space<vmem>> -> memref<1x32xi32, #tpu.memory_space<vmem>>
    %dma_start3A_375 = tpu.memref_squeeze %dma_start3A_374 : memref<1x32xi32, #tpu.memory_space<vmem>> -> memref<32xi32, #tpu.memory_space<vmem>>
    %dma_start3A_376 = arith.constant 0 : i32
    %dma_start3A_377 = arith.constant 0 : i32
    %dma_start3A_378 = tpu.memref_slice %arg2[%dma_start3A_376, %dma_start3A_377] : memref<32768x768xf32, #tpu.memory_space<hbm>> -> memref<32768x768xf32, #tpu.memory_space<hbm>>
    tpu.enqueue_indirect_dma source(%dma_start3A_378 : memref<32768x768xf32, #tpu.memory_space<hbm>>) target(%dma_start3A_372 : memref<32x768xf32, #tpu.memory_space<vmem>>) offsets(%dma_start3A_375 : memref<32xi32, #tpu.memory_space<vmem>>) semaphore(%arg8 : memref<!tpu.dma_semaphore, #tpu.memory_space<semaphore_mem>>)
    %dma_wait3A_379 = arith.constant 2 : i32
    %dma_wait3A_380 = arith.constant 2 : i32
    %dma_wait3A_381 = arith.constant 0 : i32
    %dma_wait3A_382 = arith.constant 0 : i32
    %dma_wait3A_383 = tpu.memref_slice %arg6[%dma_wait3A_380, %dma_wait3A_381, %dma_wait3A_382] : memref<4x32x768xf32, #tpu.memory_space<vmem>> -> memref<1x32x768xf32, #tpu.memory_space<vmem>>
    %dma_wait3A_384 = tpu.memref_squeeze %dma_wait3A_383 : memref<1x32x768xf32, #tpu.memory_space<vmem>> -> memref<32x768xf32, #tpu.memory_space<vmem>>
    %dma_wait3A_385 = arith.constant 0 : i32
    %dma_wait3A_386 = tpu.memref_slice %arg5[%dma_wait3A_379, %dma_wait3A_385] : memref<8x32xi32, #tpu.memory_space<vmem>> -> memref<1x32xi32, #tpu.memory_space<vmem>>
    %dma_wait3A_387 = tpu.memref_squeeze %dma_wait3A_386 : memref<1x32xi32, #tpu.memory_space<vmem>> -> memref<32xi32, #tpu.memory_space<vmem>>
    %dma_wait3A_388 = arith.constant 0 : i32
    %dma_wait3A_389 = arith.constant 0 : i32
    %dma_wait3A_390 = tpu.memref_slice %arg2[%dma_wait3A_388, %dma_wait3A_389] : memref<32768x768xf32, #tpu.memory_space<hbm>> -> memref<32768x768xf32, #tpu.memory_space<hbm>>
    tpu.wait_indirect_dma semaphore(%arg9 : memref<!tpu.dma_semaphore, #tpu.memory_space<semaphore_mem>>) src(%dma_wait3A_390 : memref<32768x768xf32, #tpu.memory_space<hbm>>) dst(%dma_wait3A_384 : memref<32x768xf32, #tpu.memory_space<vmem>>)
    %add3A_391 = arith.constant 64 : i32
    %add3A_392 = arith.addi %mul3A_2, %add3A_391 : i32
    %dma_start3A_393 = arith.constant 2 : i32
    %dma_start3A_394 = arith.constant 0 : i32
    %dma_start3A_395 = arith.constant 0 : i32
    %dma_start3A_396 = tpu.memref_slice %arg6[%dma_start3A_393, %dma_start3A_394, %dma_start3A_395] : memref<4x32x768xf32, #tpu.memory_space<vmem>> -> memref<1x32x768xf32, #tpu.memory_space<vmem>>
    %dma_start3A_397 = tpu.memref_squeeze %dma_start3A_396 : memref<1x32x768xf32, #tpu.memory_space<vmem>> -> memref<32x768xf32, #tpu.memory_space<vmem>>
    %dma_start3A_398 = arith.constant 0 : i32
    %dma_start3A_399 = tpu.memref_slice %arg4[%add3A_392, %dma_start3A_398] : memref<8192x768xf32, #tpu.memory_space<hbm>> -> memref<32x768xf32, #tpu.memory_space<hbm>>
    %dma_start3A_400 = arith.constant 0 : i32
    %dma_start3A_401 = tpu.memref_slice %arg4[%add3A_392, %dma_start3A_400] : memref<8192x768xf32, #tpu.memory_space<hbm>> -> memref<32x768xf32, #tpu.memory_space<hbm>>
    %dma_start3A_402 = arith.constant 0 : i32
    %dma_start3A_403 = arith.constant 0 : i32
    %dma_start3A_404 = tpu.memref_slice %arg6[%dma_start3A_393, %dma_start3A_402, %dma_start3A_403] : memref<4x32x768xf32, #tpu.memory_space<vmem>> -> memref<1x32x768xf32, #tpu.memory_space<vmem>>
    %dma_start3A_405 = tpu.memref_squeeze %dma_start3A_404 : memref<1x32x768xf32, #tpu.memory_space<vmem>> -> memref<32x768xf32, #tpu.memory_space<vmem>>
    tpu.enqueue_dma source(%dma_start3A_405 : memref<32x768xf32, #tpu.memory_space<vmem>>) target(%dma_start3A_401 : memref<32x768xf32, #tpu.memory_space<hbm>>) target_semaphore(%arg13 : memref<!tpu.dma_semaphore, #tpu.memory_space<semaphore_mem>>)
    %dma_wait3A_406 = arith.constant 2 : i32
    %dma_wait3A_407 = arith.constant 0 : i32
    %dma_wait3A_408 = arith.constant 0 : i32
    %dma_wait3A_409 = tpu.memref_slice %arg6[%dma_wait3A_406, %dma_wait3A_407, %dma_wait3A_408] : memref<4x32x768xf32, #tpu.memory_space<vmem>> -> memref<1x32x768xf32, #tpu.memory_space<vmem>>
    %dma_wait3A_410 = tpu.memref_squeeze %dma_wait3A_409 : memref<1x32x768xf32, #tpu.memory_space<vmem>> -> memref<32x768xf32, #tpu.memory_space<vmem>>
    %dma_wait3A_411 = arith.constant 0 : i32
    %dma_wait3A_412 = tpu.memref_slice %arg4[%add3A_392, %dma_wait3A_411] : memref<8192x768xf32, #tpu.memory_space<hbm>> -> memref<32x768xf32, #tpu.memory_space<hbm>>
    %dma_wait3A_413 = arith.constant 0 : i32
    %dma_wait3A_414 = tpu.memref_slice %arg4[%add3A_392, %dma_wait3A_413] : memref<8192x768xf32, #tpu.memory_space<hbm>> -> memref<32x768xf32, #tpu.memory_space<hbm>>
    %dma_wait3A_415 = arith.constant 0 : i32
    %dma_wait3A_416 = arith.constant 0 : i32
    %dma_wait3A_417 = tpu.memref_slice %arg6[%dma_wait3A_406, %dma_wait3A_415, %dma_wait3A_416] : memref<4x32x768xf32, #tpu.memory_space<vmem>> -> memref<1x32x768xf32, #tpu.memory_space<vmem>>
    %dma_wait3A_418 = tpu.memref_squeeze %dma_wait3A_417 : memref<1x32x768xf32, #tpu.memory_space<vmem>> -> memref<32x768xf32, #tpu.memory_space<vmem>>
    tpu.wait_dma2 semaphore(%arg13 : memref<!tpu.dma_semaphore, #tpu.memory_space<semaphore_mem>>) src(%dma_wait3A_418 : memref<32x768xf32, #tpu.memory_space<vmem>>) dst(%dma_wait3A_414 : memref<32x768xf32, #tpu.memory_space<hbm>>)
    %dma_start3A_419 = arith.constant 6 : i32
    %dma_start3A_420 = arith.constant 2 : i32
    %dma_start3A_421 = arith.constant 0 : i32
    %dma_start3A_422 = arith.constant 0 : i32
    %dma_start3A_423 = tpu.memref_slice %arg6[%dma_start3A_420, %dma_start3A_421, %dma_start3A_422] : memref<4x32x768xf32, #tpu.memory_space<vmem>> -> memref<1x32x768xf32, #tpu.memory_space<vmem>>
    %dma_start3A_424 = tpu.memref_squeeze %dma_start3A_423 : memref<1x32x768xf32, #tpu.memory_space<vmem>> -> memref<32x768xf32, #tpu.memory_space<vmem>>
    %dma_start3A_425 = arith.constant 0 : i32
    %dma_start3A_426 = tpu.memref_slice %arg5[%dma_start3A_419, %dma_start3A_425] : memref<8x32xi32, #tpu.memory_space<vmem>> -> memref<1x32xi32, #tpu.memory_space<vmem>>
    %dma_start3A_427 = tpu.memref_squeeze %dma_start3A_426 : memref<1x32xi32, #tpu.memory_space<vmem>> -> memref<32xi32, #tpu.memory_space<vmem>>
    %dma_start3A_428 = arith.constant 0 : i32
    %dma_start3A_429 = arith.constant 0 : i32
    %dma_start3A_430 = tpu.memref_slice %arg2[%dma_start3A_428, %dma_start3A_429] : memref<32768x768xf32, #tpu.memory_space<hbm>> -> memref<32768x768xf32, #tpu.memory_space<hbm>>
    tpu.enqueue_indirect_dma source(%dma_start3A_430 : memref<32768x768xf32, #tpu.memory_space<hbm>>) target(%dma_start3A_424 : memref<32x768xf32, #tpu.memory_space<vmem>>) offsets(%dma_start3A_427 : memref<32xi32, #tpu.memory_space<vmem>>) semaphore(%arg9 : memref<!tpu.dma_semaphore, #tpu.memory_space<semaphore_mem>>)
    %dma_wait3A_431 = arith.constant 3 : i32
    %dma_wait3A_432 = arith.constant 3 : i32
    %dma_wait3A_433 = arith.constant 0 : i32
    %dma_wait3A_434 = arith.constant 0 : i32
    %dma_wait3A_435 = tpu.memref_slice %arg6[%dma_wait3A_432, %dma_wait3A_433, %dma_wait3A_434] : memref<4x32x768xf32, #tpu.memory_space<vmem>> -> memref<1x32x768xf32, #tpu.memory_space<vmem>>
    %dma_wait3A_436 = tpu.memref_squeeze %dma_wait3A_435 : memref<1x32x768xf32, #tpu.memory_space<vmem>> -> memref<32x768xf32, #tpu.memory_space<vmem>>
    %dma_wait3A_437 = arith.constant 0 : i32
    %dma_wait3A_438 = tpu.memref_slice %arg5[%dma_wait3A_431, %dma_wait3A_437] : memref<8x32xi32, #tpu.memory_space<vmem>> -> memref<1x32xi32, #tpu.memory_space<vmem>>
    %dma_wait3A_439 = tpu.memref_squeeze %dma_wait3A_438 : memref<1x32xi32, #tpu.memory_space<vmem>> -> memref<32xi32, #tpu.memory_space<vmem>>
    %dma_wait3A_440 = arith.constant 0 : i32
    %dma_wait3A_441 = arith.constant 0 : i32
    %dma_wait3A_442 = tpu.memref_slice %arg2[%dma_wait3A_440, %dma_wait3A_441] : memref<32768x768xf32, #tpu.memory_space<hbm>> -> memref<32768x768xf32, #tpu.memory_space<hbm>>
    tpu.wait_indirect_dma semaphore(%arg10 : memref<!tpu.dma_semaphore, #tpu.memory_space<semaphore_mem>>) src(%dma_wait3A_442 : memref<32768x768xf32, #tpu.memory_space<hbm>>) dst(%dma_wait3A_436 : memref<32x768xf32, #tpu.memory_space<vmem>>)
    %add3A_443 = arith.constant 96 : i32
    %add3A_444 = arith.addi %mul3A_2, %add3A_443 : i32
    %dma_start3A_445 = arith.constant 3 : i32
    %dma_start3A_446 = arith.constant 0 : i32
    %dma_start3A_447 = arith.constant 0 : i32
    %dma_start3A_448 = tpu.memref_slice %arg6[%dma_start3A_445, %dma_start3A_446, %dma_start3A_447] : memref<4x32x768xf32, #tpu.memory_space<vmem>> -> memref<1x32x768xf32, #tpu.memory_space<vmem>>
    %dma_start3A_449 = tpu.memref_squeeze %dma_start3A_448 : memref<1x32x768xf32, #tpu.memory_space<vmem>> -> memref<32x768xf32, #tpu.memory_space<vmem>>
    %dma_start3A_450 = arith.constant 0 : i32
    %dma_start3A_451 = tpu.memref_slice %arg4[%add3A_444, %dma_start3A_450] : memref<8192x768xf32, #tpu.memory_space<hbm>> -> memref<32x768xf32, #tpu.memory_space<hbm>>
    %dma_start3A_452 = arith.constant 0 : i32
    %dma_start3A_453 = tpu.memref_slice %arg4[%add3A_444, %dma_start3A_452] : memref<8192x768xf32, #tpu.memory_space<hbm>> -> memref<32x768xf32, #tpu.memory_space<hbm>>
    %dma_start3A_454 = arith.constant 0 : i32
    %dma_start3A_455 = arith.constant 0 : i32
    %dma_start3A_456 = tpu.memref_slice %arg6[%dma_start3A_445, %dma_start3A_454, %dma_start3A_455] : memref<4x32x768xf32, #tpu.memory_space<vmem>> -> memref<1x32x768xf32, #tpu.memory_space<vmem>>
    %dma_start3A_457 = tpu.memref_squeeze %dma_start3A_456 : memref<1x32x768xf32, #tpu.memory_space<vmem>> -> memref<32x768xf32, #tpu.memory_space<vmem>>
    tpu.enqueue_dma source(%dma_start3A_457 : memref<32x768xf32, #tpu.memory_space<vmem>>) target(%dma_start3A_453 : memref<32x768xf32, #tpu.memory_space<hbm>>) target_semaphore(%arg14 : memref<!tpu.dma_semaphore, #tpu.memory_space<semaphore_mem>>)
    %dma_wait3A_458 = arith.constant 3 : i32
    %dma_wait3A_459 = arith.constant 0 : i32
    %dma_wait3A_460 = arith.constant 0 : i32
    %dma_wait3A_461 = tpu.memref_slice %arg6[%dma_wait3A_458, %dma_wait3A_459, %dma_wait3A_460] : memref<4x32x768xf32, #tpu.memory_space<vmem>> -> memref<1x32x768xf32, #tpu.memory_space<vmem>>
    %dma_wait3A_462 = tpu.memref_squeeze %dma_wait3A_461 : memref<1x32x768xf32, #tpu.memory_space<vmem>> -> memref<32x768xf32, #tpu.memory_space<vmem>>
    %dma_wait3A_463 = arith.constant 0 : i32
    %dma_wait3A_464 = tpu.memref_slice %arg4[%add3A_444, %dma_wait3A_463] : memref<8192x768xf32, #tpu.memory_space<hbm>> -> memref<32x768xf32, #tpu.memory_space<hbm>>
    %dma_wait3A_465 = arith.constant 0 : i32
    %dma_wait3A_466 = tpu.memref_slice %arg4[%add3A_444, %dma_wait3A_465] : memref<8192x768xf32, #tpu.memory_space<hbm>> -> memref<32x768xf32, #tpu.memory_space<hbm>>
    %dma_wait3A_467 = arith.constant 0 : i32
    %dma_wait3A_468 = arith.constant 0 : i32
    %dma_wait3A_469 = tpu.memref_slice %arg6[%dma_wait3A_458, %dma_wait3A_467, %dma_wait3A_468] : memref<4x32x768xf32, #tpu.memory_space<vmem>> -> memref<1x32x768xf32, #tpu.memory_space<vmem>>
    %dma_wait3A_470 = tpu.memref_squeeze %dma_wait3A_469 : memref<1x32x768xf32, #tpu.memory_space<vmem>> -> memref<32x768xf32, #tpu.memory_space<vmem>>
    tpu.wait_dma2 semaphore(%arg14 : memref<!tpu.dma_semaphore, #tpu.memory_space<semaphore_mem>>) src(%dma_wait3A_470 : memref<32x768xf32, #tpu.memory_space<vmem>>) dst(%dma_wait3A_466 : memref<32x768xf32, #tpu.memory_space<hbm>>)
    %dma_start3A_471 = arith.constant 7 : i32
    %dma_start3A_472 = arith.constant 3 : i32
    %dma_start3A_473 = arith.constant 0 : i32
    %dma_start3A_474 = arith.constant 0 : i32
    %dma_start3A_475 = tpu.memref_slice %arg6[%dma_start3A_472, %dma_start3A_473, %dma_start3A_474] : memref<4x32x768xf32, #tpu.memory_space<vmem>> -> memref<1x32x768xf32, #tpu.memory_space<vmem>>
    %dma_start3A_476 = tpu.memref_squeeze %dma_start3A_475 : memref<1x32x768xf32, #tpu.memory_space<vmem>> -> memref<32x768xf32, #tpu.memory_space<vmem>>
    %dma_start3A_477 = arith.constant 0 : i32
    %dma_start3A_478 = tpu.memref_slice %arg5[%dma_start3A_471, %dma_start3A_477] : memref<8x32xi32, #tpu.memory_space<vmem>> -> memref<1x32xi32, #tpu.memory_space<vmem>>
    %dma_start3A_479 = tpu.memref_squeeze %dma_start3A_478 : memref<1x32xi32, #tpu.memory_space<vmem>> -> memref<32xi32, #tpu.memory_space<vmem>>
    %dma_start3A_480 = arith.constant 0 : i32
    %dma_start3A_481 = arith.constant 0 : i32
    %dma_start3A_482 = tpu.memref_slice %arg2[%dma_start3A_480, %dma_start3A_481] : memref<32768x768xf32, #tpu.memory_space<hbm>> -> memref<32768x768xf32, #tpu.memory_space<hbm>>
    tpu.enqueue_indirect_dma source(%dma_start3A_482 : memref<32768x768xf32, #tpu.memory_space<hbm>>) target(%dma_start3A_476 : memref<32x768xf32, #tpu.memory_space<vmem>>) offsets(%dma_start3A_479 : memref<32xi32, #tpu.memory_space<vmem>>) semaphore(%arg10 : memref<!tpu.dma_semaphore, #tpu.memory_space<semaphore_mem>>)
    %dma_wait3A_483 = arith.constant 4 : i32
    %dma_wait3A_484 = arith.constant 0 : i32
    %dma_wait3A_485 = arith.constant 0 : i32
    %dma_wait3A_486 = arith.constant 0 : i32
    %dma_wait3A_487 = tpu.memref_slice %arg6[%dma_wait3A_484, %dma_wait3A_485, %dma_wait3A_486] : memref<4x32x768xf32, #tpu.memory_space<vmem>> -> memref<1x32x768xf32, #tpu.memory_space<vmem>>
    %dma_wait3A_488 = tpu.memref_squeeze %dma_wait3A_487 : memref<1x32x768xf32, #tpu.memory_space<vmem>> -> memref<32x768xf32, #tpu.memory_space<vmem>>
    %dma_wait3A_489 = arith.constant 0 : i32
    %dma_wait3A_490 = tpu.memref_slice %arg5[%dma_wait3A_483, %dma_wait3A_489] : memref<8x32xi32, #tpu.memory_space<vmem>> -> memref<1x32xi32, #tpu.memory_space<vmem>>
    %dma_wait3A_491 = tpu.memref_squeeze %dma_wait3A_490 : memref<1x32xi32, #tpu.memory_space<vmem>> -> memref<32xi32, #tpu.memory_space<vmem>>
    %dma_wait3A_492 = arith.constant 0 : i32
    %dma_wait3A_493 = arith.constant 0 : i32
    %dma_wait3A_494 = tpu.memref_slice %arg2[%dma_wait3A_492, %dma_wait3A_493] : memref<32768x768xf32, #tpu.memory_space<hbm>> -> memref<32768x768xf32, #tpu.memory_space<hbm>>
    tpu.wait_indirect_dma semaphore(%arg7 : memref<!tpu.dma_semaphore, #tpu.memory_space<semaphore_mem>>) src(%dma_wait3A_494 : memref<32768x768xf32, #tpu.memory_space<hbm>>) dst(%dma_wait3A_488 : memref<32x768xf32, #tpu.memory_space<vmem>>)
    %add3A_495 = arith.constant 128 : i32
    %add3A_496 = arith.addi %mul3A_2, %add3A_495 : i32
    %dma_start3A_497 = arith.constant 0 : i32
    %dma_start3A_498 = arith.constant 0 : i32
    %dma_start3A_499 = arith.constant 0 : i32
    %dma_start3A_500 = tpu.memref_slice %arg6[%dma_start3A_497, %dma_start3A_498, %dma_start3A_499] : memref<4x32x768xf32, #tpu.memory_space<vmem>> -> memref<1x32x768xf32, #tpu.memory_space<vmem>>
    %dma_start3A_501 = tpu.memref_squeeze %dma_start3A_500 : memref<1x32x768xf32, #tpu.memory_space<vmem>> -> memref<32x768xf32, #tpu.memory_space<vmem>>
    %dma_start3A_502 = arith.constant 0 : i32
    %dma_start3A_503 = tpu.memref_slice %arg4[%add3A_496, %dma_start3A_502] : memref<8192x768xf32, #tpu.memory_space<hbm>> -> memref<32x768xf32, #tpu.memory_space<hbm>>
    %dma_start3A_504 = arith.constant 0 : i32
    %dma_start3A_505 = tpu.memref_slice %arg4[%add3A_496, %dma_start3A_504] : memref<8192x768xf32, #tpu.memory_space<hbm>> -> memref<32x768xf32, #tpu.memory_space<hbm>>
    %dma_start3A_506 = arith.constant 0 : i32
    %dma_start3A_507 = arith.constant 0 : i32
    %dma_start3A_508 = tpu.memref_slice %arg6[%dma_start3A_497, %dma_start3A_506, %dma_start3A_507] : memref<4x32x768xf32, #tpu.memory_space<vmem>> -> memref<1x32x768xf32, #tpu.memory_space<vmem>>
    %dma_start3A_509 = tpu.memref_squeeze %dma_start3A_508 : memref<1x32x768xf32, #tpu.memory_space<vmem>> -> memref<32x768xf32, #tpu.memory_space<vmem>>
    tpu.enqueue_dma source(%dma_start3A_509 : memref<32x768xf32, #tpu.memory_space<vmem>>) target(%dma_start3A_505 : memref<32x768xf32, #tpu.memory_space<hbm>>) target_semaphore(%arg11 : memref<!tpu.dma_semaphore, #tpu.memory_space<semaphore_mem>>)
    %dma_wait3A_510 = arith.constant 5 : i32
    %dma_wait3A_511 = arith.constant 1 : i32
    %dma_wait3A_512 = arith.constant 0 : i32
    %dma_wait3A_513 = arith.constant 0 : i32
    %dma_wait3A_514 = tpu.memref_slice %arg6[%dma_wait3A_511, %dma_wait3A_512, %dma_wait3A_513] : memref<4x32x768xf32, #tpu.memory_space<vmem>> -> memref<1x32x768xf32, #tpu.memory_space<vmem>>
    %dma_wait3A_515 = tpu.memref_squeeze %dma_wait3A_514 : memref<1x32x768xf32, #tpu.memory_space<vmem>> -> memref<32x768xf32, #tpu.memory_space<vmem>>
    %dma_wait3A_516 = arith.constant 0 : i32
    %dma_wait3A_517 = tpu.memref_slice %arg5[%dma_wait3A_510, %dma_wait3A_516] : memref<8x32xi32, #tpu.memory_space<vmem>> -> memref<1x32xi32, #tpu.memory_space<vmem>>
    %dma_wait3A_518 = tpu.memref_squeeze %dma_wait3A_517 : memref<1x32xi32, #tpu.memory_space<vmem>> -> memref<32xi32, #tpu.memory_space<vmem>>
    %dma_wait3A_519 = arith.constant 0 : i32
    %dma_wait3A_520 = arith.constant 0 : i32
    %dma_wait3A_521 = tpu.memref_slice %arg2[%dma_wait3A_519, %dma_wait3A_520] : memref<32768x768xf32, #tpu.memory_space<hbm>> -> memref<32768x768xf32, #tpu.memory_space<hbm>>
    tpu.wait_indirect_dma semaphore(%arg8 : memref<!tpu.dma_semaphore, #tpu.memory_space<semaphore_mem>>) src(%dma_wait3A_521 : memref<32768x768xf32, #tpu.memory_space<hbm>>) dst(%dma_wait3A_515 : memref<32x768xf32, #tpu.memory_space<vmem>>)
    %add3A_522 = arith.constant 160 : i32
    %add3A_523 = arith.addi %mul3A_2, %add3A_522 : i32
    %dma_start3A_524 = arith.constant 1 : i32
    %dma_start3A_525 = arith.constant 0 : i32
    %dma_start3A_526 = arith.constant 0 : i32
    %dma_start3A_527 = tpu.memref_slice %arg6[%dma_start3A_524, %dma_start3A_525, %dma_start3A_526] : memref<4x32x768xf32, #tpu.memory_space<vmem>> -> memref<1x32x768xf32, #tpu.memory_space<vmem>>
    %dma_start3A_528 = tpu.memref_squeeze %dma_start3A_527 : memref<1x32x768xf32, #tpu.memory_space<vmem>> -> memref<32x768xf32, #tpu.memory_space<vmem>>
    %dma_start3A_529 = arith.constant 0 : i32
    %dma_start3A_530 = tpu.memref_slice %arg4[%add3A_523, %dma_start3A_529] : memref<8192x768xf32, #tpu.memory_space<hbm>> -> memref<32x768xf32, #tpu.memory_space<hbm>>
    %dma_start3A_531 = arith.constant 0 : i32
    %dma_start3A_532 = tpu.memref_slice %arg4[%add3A_523, %dma_start3A_531] : memref<8192x768xf32, #tpu.memory_space<hbm>> -> memref<32x768xf32, #tpu.memory_space<hbm>>
    %dma_start3A_533 = arith.constant 0 : i32
    %dma_start3A_534 = arith.constant 0 : i32
    %dma_start3A_535 = tpu.memref_slice %arg6[%dma_start3A_524, %dma_start3A_533, %dma_start3A_534] : memref<4x32x768xf32, #tpu.memory_space<vmem>> -> memref<1x32x768xf32, #tpu.memory_space<vmem>>
    %dma_start3A_536 = tpu.memref_squeeze %dma_start3A_535 : memref<1x32x768xf32, #tpu.memory_space<vmem>> -> memref<32x768xf32, #tpu.memory_space<vmem>>
    tpu.enqueue_dma source(%dma_start3A_536 : memref<32x768xf32, #tpu.memory_space<vmem>>) target(%dma_start3A_532 : memref<32x768xf32, #tpu.memory_space<hbm>>) target_semaphore(%arg12 : memref<!tpu.dma_semaphore, #tpu.memory_space<semaphore_mem>>)
    %dma_wait3A_537 = arith.constant 6 : i32
    %dma_wait3A_538 = arith.constant 2 : i32
    %dma_wait3A_539 = arith.constant 0 : i32
    %dma_wait3A_540 = arith.constant 0 : i32
    %dma_wait3A_541 = tpu.memref_slice %arg6[%dma_wait3A_538, %dma_wait3A_539, %dma_wait3A_540] : memref<4x32x768xf32, #tpu.memory_space<vmem>> -> memref<1x32x768xf32, #tpu.memory_space<vmem>>
    %dma_wait3A_542 = tpu.memref_squeeze %dma_wait3A_541 : memref<1x32x768xf32, #tpu.memory_space<vmem>> -> memref<32x768xf32, #tpu.memory_space<vmem>>
    %dma_wait3A_543 = arith.constant 0 : i32
    %dma_wait3A_544 = tpu.memref_slice %arg5[%dma_wait3A_537, %dma_wait3A_543] : memref<8x32xi32, #tpu.memory_space<vmem>> -> memref<1x32xi32, #tpu.memory_space<vmem>>
    %dma_wait3A_545 = tpu.memref_squeeze %dma_wait3A_544 : memref<1x32xi32, #tpu.memory_space<vmem>> -> memref<32xi32, #tpu.memory_space<vmem>>
    %dma_wait3A_546 = arith.constant 0 : i32
    %dma_wait3A_547 = arith.constant 0 : i32
    %dma_wait3A_548 = tpu.memref_slice %arg2[%dma_wait3A_546, %dma_wait3A_547] : memref<32768x768xf32, #tpu.memory_space<hbm>> -> memref<32768x768xf32, #tpu.memory_space<hbm>>
    tpu.wait_indirect_dma semaphore(%arg9 : memref<!tpu.dma_semaphore, #tpu.memory_space<semaphore_mem>>) src(%dma_wait3A_548 : memref<32768x768xf32, #tpu.memory_space<hbm>>) dst(%dma_wait3A_542 : memref<32x768xf32, #tpu.memory_space<vmem>>)
    %add3A_549 = arith.constant 192 : i32
    %add3A_550 = arith.addi %mul3A_2, %add3A_549 : i32
    %dma_start3A_551 = arith.constant 2 : i32
    %dma_start3A_552 = arith.constant 0 : i32
    %dma_start3A_553 = arith.constant 0 : i32
    %dma_start3A_554 = tpu.memref_slice %arg6[%dma_start3A_551, %dma_start3A_552, %dma_start3A_553] : memref<4x32x768xf32, #tpu.memory_space<vmem>> -> memref<1x32x768xf32, #tpu.memory_space<vmem>>
    %dma_start3A_555 = tpu.memref_squeeze %dma_start3A_554 : memref<1x32x768xf32, #tpu.memory_space<vmem>> -> memref<32x768xf32, #tpu.memory_space<vmem>>
    %dma_start3A_556 = arith.constant 0 : i32
    %dma_start3A_557 = tpu.memref_slice %arg4[%add3A_550, %dma_start3A_556] : memref<8192x768xf32, #tpu.memory_space<hbm>> -> memref<32x768xf32, #tpu.memory_space<hbm>>
    %dma_start3A_558 = arith.constant 0 : i32
    %dma_start3A_559 = tpu.memref_slice %arg4[%add3A_550, %dma_start3A_558] : memref<8192x768xf32, #tpu.memory_space<hbm>> -> memref<32x768xf32, #tpu.memory_space<hbm>>
    %dma_start3A_560 = arith.constant 0 : i32
    %dma_start3A_561 = arith.constant 0 : i32
    %dma_start3A_562 = tpu.memref_slice %arg6[%dma_start3A_551, %dma_start3A_560, %dma_start3A_561] : memref<4x32x768xf32, #tpu.memory_space<vmem>> -> memref<1x32x768xf32, #tpu.memory_space<vmem>>
    %dma_start3A_563 = tpu.memref_squeeze %dma_start3A_562 : memref<1x32x768xf32, #tpu.memory_space<vmem>> -> memref<32x768xf32, #tpu.memory_space<vmem>>
    tpu.enqueue_dma source(%dma_start3A_563 : memref<32x768xf32, #tpu.memory_space<vmem>>) target(%dma_start3A_559 : memref<32x768xf32, #tpu.memory_space<hbm>>) target_semaphore(%arg13 : memref<!tpu.dma_semaphore, #tpu.memory_space<semaphore_mem>>)
    %dma_wait3A_564 = arith.constant 7 : i32
    %dma_wait3A_565 = arith.constant 3 : i32
    %dma_wait3A_566 = arith.constant 0 : i32
    %dma_wait3A_567 = arith.constant 0 : i32
    %dma_wait3A_568 = tpu.memref_slice %arg6[%dma_wait3A_565, %dma_wait3A_566, %dma_wait3A_567] : memref<4x32x768xf32, #tpu.memory_space<vmem>> -> memref<1x32x768xf32, #tpu.memory_space<vmem>>
    %dma_wait3A_569 = tpu.memref_squeeze %dma_wait3A_568 : memref<1x32x768xf32, #tpu.memory_space<vmem>> -> memref<32x768xf32, #tpu.memory_space<vmem>>
    %dma_wait3A_570 = arith.constant 0 : i32
    %dma_wait3A_571 = tpu.memref_slice %arg5[%dma_wait3A_564, %dma_wait3A_570] : memref<8x32xi32, #tpu.memory_space<vmem>> -> memref<1x32xi32, #tpu.memory_space<vmem>>
    %dma_wait3A_572 = tpu.memref_squeeze %dma_wait3A_571 : memref<1x32xi32, #tpu.memory_space<vmem>> -> memref<32xi32, #tpu.memory_space<vmem>>
    %dma_wait3A_573 = arith.constant 0 : i32
    %dma_wait3A_574 = arith.constant 0 : i32
    %dma_wait3A_575 = tpu.memref_slice %arg2[%dma_wait3A_573, %dma_wait3A_574] : memref<32768x768xf32, #tpu.memory_space<hbm>> -> memref<32768x768xf32, #tpu.memory_space<hbm>>
    tpu.wait_indirect_dma semaphore(%arg10 : memref<!tpu.dma_semaphore, #tpu.memory_space<semaphore_mem>>) src(%dma_wait3A_575 : memref<32768x768xf32, #tpu.memory_space<hbm>>) dst(%dma_wait3A_569 : memref<32x768xf32, #tpu.memory_space<vmem>>)
    %add3A_576 = arith.constant 224 : i32
    %add3A_577 = arith.addi %mul3A_2, %add3A_576 : i32
    %dma_start3A_578 = arith.constant 3 : i32
    %dma_start3A_579 = arith.constant 0 : i32
    %dma_start3A_580 = arith.constant 0 : i32
    %dma_start3A_581 = tpu.memref_slice %arg6[%dma_start3A_578, %dma_start3A_579, %dma_start3A_580] : memref<4x32x768xf32, #tpu.memory_space<vmem>> -> memref<1x32x768xf32, #tpu.memory_space<vmem>>
    %dma_start3A_582 = tpu.memref_squeeze %dma_start3A_581 : memref<1x32x768xf32, #tpu.memory_space<vmem>> -> memref<32x768xf32, #tpu.memory_space<vmem>>
    %dma_start3A_583 = arith.constant 0 : i32
    %dma_start3A_584 = tpu.memref_slice %arg4[%add3A_577, %dma_start3A_583] : memref<8192x768xf32, #tpu.memory_space<hbm>> -> memref<32x768xf32, #tpu.memory_space<hbm>>
    %dma_start3A_585 = arith.constant 0 : i32
    %dma_start3A_586 = tpu.memref_slice %arg4[%add3A_577, %dma_start3A_585] : memref<8192x768xf32, #tpu.memory_space<hbm>> -> memref<32x768xf32, #tpu.memory_space<hbm>>
    %dma_start3A_587 = arith.constant 0 : i32
    %dma_start3A_588 = arith.constant 0 : i32
    %dma_start3A_589 = tpu.memref_slice %arg6[%dma_start3A_578, %dma_start3A_587, %dma_start3A_588] : memref<4x32x768xf32, #tpu.memory_space<vmem>> -> memref<1x32x768xf32, #tpu.memory_space<vmem>>
    %dma_start3A_590 = tpu.memref_squeeze %dma_start3A_589 : memref<1x32x768xf32, #tpu.memory_space<vmem>> -> memref<32x768xf32, #tpu.memory_space<vmem>>
    tpu.enqueue_dma source(%dma_start3A_590 : memref<32x768xf32, #tpu.memory_space<vmem>>) target(%dma_start3A_586 : memref<32x768xf32, #tpu.memory_space<hbm>>) target_semaphore(%arg14 : memref<!tpu.dma_semaphore, #tpu.memory_space<semaphore_mem>>)
    %dma_wait3A_591 = arith.constant 0 : i32
    %dma_wait3A_592 = arith.constant 0 : i32
    %dma_wait3A_593 = arith.constant 0 : i32
    %dma_wait3A_594 = tpu.memref_slice %arg6[%dma_wait3A_591, %dma_wait3A_592, %dma_wait3A_593] : memref<4x32x768xf32, #tpu.memory_space<vmem>> -> memref<1x32x768xf32, #tpu.memory_space<vmem>>
    %dma_wait3A_595 = tpu.memref_squeeze %dma_wait3A_594 : memref<1x32x768xf32, #tpu.memory_space<vmem>> -> memref<32x768xf32, #tpu.memory_space<vmem>>
    %dma_wait3A_596 = arith.constant 0 : i32
    %dma_wait3A_597 = tpu.memref_slice %arg4[%add3A_496, %dma_wait3A_596] : memref<8192x768xf32, #tpu.memory_space<hbm>> -> memref<32x768xf32, #tpu.memory_space<hbm>>
    %dma_wait3A_598 = arith.constant 0 : i32
    %dma_wait3A_599 = tpu.memref_slice %arg4[%add3A_496, %dma_wait3A_598] : memref<8192x768xf32, #tpu.memory_space<hbm>> -> memref<32x768xf32, #tpu.memory_space<hbm>>
    %dma_wait3A_600 = arith.constant 0 : i32
    %dma_wait3A_601 = arith.constant 0 : i32
    %dma_wait3A_602 = tpu.memref_slice %arg6[%dma_wait3A_591, %dma_wait3A_600, %dma_wait3A_601] : memref<4x32x768xf32, #tpu.memory_space<vmem>> -> memref<1x32x768xf32, #tpu.memory_space<vmem>>
    %dma_wait3A_603 = tpu.memref_squeeze %dma_wait3A_602 : memref<1x32x768xf32, #tpu.memory_space<vmem>> -> memref<32x768xf32, #tpu.memory_space<vmem>>
    tpu.wait_dma2 semaphore(%arg11 : memref<!tpu.dma_semaphore, #tpu.memory_space<semaphore_mem>>) src(%dma_wait3A_603 : memref<32x768xf32, #tpu.memory_space<vmem>>) dst(%dma_wait3A_599 : memref<32x768xf32, #tpu.memory_space<hbm>>)
    %dma_wait3A_604 = arith.constant 1 : i32
    %dma_wait3A_605 = arith.constant 0 : i32
    %dma_wait3A_606 = arith.constant 0 : i32
    %dma_wait3A_607 = tpu.memref_slice %arg6[%dma_wait3A_604, %dma_wait3A_605, %dma_wait3A_606] : memref<4x32x768xf32, #tpu.memory_space<vmem>> -> memref<1x32x768xf32, #tpu.memory_space<vmem>>
    %dma_wait3A_608 = tpu.memref_squeeze %dma_wait3A_607 : memref<1x32x768xf32, #tpu.memory_space<vmem>> -> memref<32x768xf32, #tpu.memory_space<vmem>>
    %dma_wait3A_609 = arith.constant 0 : i32
    %dma_wait3A_610 = tpu.memref_slice %arg4[%add3A_523, %dma_wait3A_609] : memref<8192x768xf32, #tpu.memory_space<hbm>> -> memref<32x768xf32, #tpu.memory_space<hbm>>
    %dma_wait3A_611 = arith.constant 0 : i32
    %dma_wait3A_612 = tpu.memref_slice %arg4[%add3A_523, %dma_wait3A_611] : memref<8192x768xf32, #tpu.memory_space<hbm>> -> memref<32x768xf32, #tpu.memory_space<hbm>>
    %dma_wait3A_613 = arith.constant 0 : i32
    %dma_wait3A_614 = arith.constant 0 : i32
    %dma_wait3A_615 = tpu.memref_slice %arg6[%dma_wait3A_604, %dma_wait3A_613, %dma_wait3A_614] : memref<4x32x768xf32, #tpu.memory_space<vmem>> -> memref<1x32x768xf32, #tpu.memory_space<vmem>>
    %dma_wait3A_616 = tpu.memref_squeeze %dma_wait3A_615 : memref<1x32x768xf32, #tpu.memory_space<vmem>> -> memref<32x768xf32, #tpu.memory_space<vmem>>
    tpu.wait_dma2 semaphore(%arg12 : memref<!tpu.dma_semaphore, #tpu.memory_space<semaphore_mem>>) src(%dma_wait3A_616 : memref<32x768xf32, #tpu.memory_space<vmem>>) dst(%dma_wait3A_612 : memref<32x768xf32, #tpu.memory_space<hbm>>)
    %dma_wait3A_617 = arith.constant 2 : i32
    %dma_wait3A_618 = arith.constant 0 : i32
    %dma_wait3A_619 = arith.constant 0 : i32
    %dma_wait3A_620 = tpu.memref_slice %arg6[%dma_wait3A_617, %dma_wait3A_618, %dma_wait3A_619] : memref<4x32x768xf32, #tpu.memory_space<vmem>> -> memref<1x32x768xf32, #tpu.memory_space<vmem>>
    %dma_wait3A_621 = tpu.memref_squeeze %dma_wait3A_620 : memref<1x32x768xf32, #tpu.memory_space<vmem>> -> memref<32x768xf32, #tpu.memory_space<vmem>>
    %dma_wait3A_622 = arith.constant 0 : i32
    %dma_wait3A_623 = tpu.memref_slice %arg4[%add3A_550, %dma_wait3A_622] : memref<8192x768xf32, #tpu.memory_space<hbm>> -> memref<32x768xf32, #tpu.memory_space<hbm>>
    %dma_wait3A_624 = arith.constant 0 : i32
    %dma_wait3A_625 = tpu.memref_slice %arg4[%add3A_550, %dma_wait3A_624] : memref<8192x768xf32, #tpu.memory_space<hbm>> -> memref<32x768xf32, #tpu.memory_space<hbm>>
    %dma_wait3A_626 = arith.constant 0 : i32
    %dma_wait3A_627 = arith.constant 0 : i32
    %dma_wait3A_628 = tpu.memref_slice %arg6[%dma_wait3A_617, %dma_wait3A_626, %dma_wait3A_627] : memref<4x32x768xf32, #tpu.memory_space<vmem>> -> memref<1x32x768xf32, #tpu.memory_space<vmem>>
    %dma_wait3A_629 = tpu.memref_squeeze %dma_wait3A_628 : memref<1x32x768xf32, #tpu.memory_space<vmem>> -> memref<32x768xf32, #tpu.memory_space<vmem>>
    tpu.wait_dma2 semaphore(%arg13 : memref<!tpu.dma_semaphore, #tpu.memory_space<semaphore_mem>>) src(%dma_wait3A_629 : memref<32x768xf32, #tpu.memory_space<vmem>>) dst(%dma_wait3A_625 : memref<32x768xf32, #tpu.memory_space<hbm>>)
    %dma_wait3A_630 = arith.constant 3 : i32
    %dma_wait3A_631 = arith.constant 0 : i32
    %dma_wait3A_632 = arith.constant 0 : i32
    %dma_wait3A_633 = tpu.memref_slice %arg6[%dma_wait3A_630, %dma_wait3A_631, %dma_wait3A_632] : memref<4x32x768xf32, #tpu.memory_space<vmem>> -> memref<1x32x768xf32, #tpu.memory_space<vmem>>
    %dma_wait3A_634 = tpu.memref_squeeze %dma_wait3A_633 : memref<1x32x768xf32, #tpu.memory_space<vmem>> -> memref<32x768xf32, #tpu.memory_space<vmem>>
    %dma_wait3A_635 = arith.constant 0 : i32
    %dma_wait3A_636 = tpu.memref_slice %arg4[%add3A_577, %dma_wait3A_635] : memref<8192x768xf32, #tpu.memory_space<hbm>> -> memref<32x768xf32, #tpu.memory_space<hbm>>
    %dma_wait3A_637 = arith.constant 0 : i32
    %dma_wait3A_638 = tpu.memref_slice %arg4[%add3A_577, %dma_wait3A_637] : memref<8192x768xf32, #tpu.memory_space<hbm>> -> memref<32x768xf32, #tpu.memory_space<hbm>>
    %dma_wait3A_639 = arith.constant 0 : i32
    %dma_wait3A_640 = arith.constant 0 : i32
    %dma_wait3A_641 = tpu.memref_slice %arg6[%dma_wait3A_630, %dma_wait3A_639, %dma_wait3A_640] : memref<4x32x768xf32, #tpu.memory_space<vmem>> -> memref<1x32x768xf32, #tpu.memory_space<vmem>>
    %dma_wait3A_642 = tpu.memref_squeeze %dma_wait3A_641 : memref<1x32x768xf32, #tpu.memory_space<vmem>> -> memref<32x768xf32, #tpu.memory_space<vmem>>
    tpu.wait_dma2 semaphore(%arg14 : memref<!tpu.dma_semaphore, #tpu.memory_space<semaphore_mem>>) src(%dma_wait3A_642 : memref<32x768xf32, #tpu.memory_space<vmem>>) dst(%dma_wait3A_638 : memref<32x768xf32, #tpu.memory_space<hbm>>)
    return
  }
}

</mosaic_0001>

<sc_bundles>
// kernel: kernel.3.cloned.1.call-start
scs
__scs_entry_jumppad:
0x0: {  	(pc) =	sbr.rel $0x88, $3  }
0x1: {  	(tag) =	ssettag $0x0;
	lr =	simm.s32 $0x1  }
0x2: {  	[smem:$0x3FA0] =	sst lr;
	_ =	strace $0xD0000000  }
0x3: {  	_ = 	snop  }
0x4: {  	_ = 	snop  }
0x5: {  	_ = 	snop  }
0x6: {  	_ = 	snop  }
0x7: {  	_ = 	snop  }
__scs_overlays_trampoline_lowered:
0x8: {  	[smem:$0x3FAF] =	sst s0  }
0x9: {  	[smem:$0x3FB0] =	sst s1  }
0xa: {  	[smem:$0x3FB1] =	sst s2  }
0xb: {  	[smem:$0x3FB2] =	sst s3  }
0xc: {  	[smem:$0x3FB3] =	sst s4  }
0xd: {  	[smem:$0x3FB4] =	sst s5  }
0xe: {  	[smem:$0x3FB5] =	sst s6  }
0xf: {  	[smem:$0x3FB6] =	sst s7  }
0x10: {  	[smem:$0x3FB7] =	sst s8  }
0x11: {  	[smem:$0x3FB8] =	sst s9;
	s0 =	simm.s32 @!p0 $0x0  }
0x12: {  	s1 =	sld [smem:$0x3F9E];
	s0 =	simm.s32 @p0 $0x1  }
0x13: {  	[smem:$0x3FB9] =	sst s0;
	s0 =	simm.s32 @!p1 $0x0  }
0x14: {  	s2 =	sld [smem:$0x3F9D];
	s0 =	simm.s32 @p1 $0x1  }
0x15: {  	[smem:$0x3FBA] =	sst s0;
	s0 =	simm.s32 @!p2 $0x0  }
0x16: {  	s3 =	sld [smem:$0x3FDB];
	s0 =	simm.s32 @p2 $0x1  }
0x17: {  	s4 =	simm.s32 $0x1BF5;
	[smem:$0x3FBC] =	sst s0  }
0x18: {  	s0 =	sld [smem:$0x3F9F];
	_ =	swait.ge [sflag:s4], $0x0  }
0x19: {  	s7 =	sld [smem:$0x3FA0]  }
0x1a: {  	s8 =	sadd.s32 $0xFFFFE003, lr  }
0x1b: {  	s9 =	sadd.s32 $0xFFFFFEF7, lr;
	s5 =	simm.s32 $0xFFFFFFFF;
	p2 =	slt.u32 s8, $0xFFFFF086  }
0x1c: {  	p1 =	slt.u32 s9, $0xF7A;
	s5 =	simm.s32 @!p2 $0x0  }
0x1d: {  	s5 =	simm.s32 @p1 $0x1;
	p0 =	seq.s32 s7, s2  }
0x1e: {  	s7 =	smul.u32 @!p0 $0xF7A, s2;
	p2 =	seq.s32 @!p0 s5, $0x0  }
0x1f: {  	s9 =	smul.u32 $0xF7A, s1;
	s8 =	simm.s32 @!p0 $0x1BF5;
	p2 =	por !p2, p0  }
0x20: {  	[sflag:s8] =	ssyncset.s32 @!p0 $0xFFFFF086;
	s6 =	sadd.s32 @!p0 s3, s7;
	s7 =	simm.s32 @!p0 $0x108  }
0x21: {  	s3 =	sadd.s32 s3, s9;
	s6 =	sadd.s32 @!p0 $0x88, s6;
	s7 =	simm.s32 @p2 $0x1082  }
0x22: {  	[simem:s7], [sflag:s8] =	dma.local @!p0 [hbm:s6], $0xF7A  }
0x23: {  	s9 =	sor.u32 $0xD0000000, s2;
	s6 =	simm.s32 $0x108;
	_ =	swait.ge @!p0 [sflag:s8], $0x0  }
0x24: {  	s3 =	sadd.s32 $0x88, s3;
	s6 =	simm.s32 @!p1 $0x1082;
	[sflag:s4] =	ssyncset.s32 $0xFFFFF086  }
0x25: {  	[simem:s6], [sflag:s4] =	dma.local [hbm:s3], $0xF7A  }
0x26: {  	[smem:$0x3FA0] =	sst s1;
	(tag) =	ssettag s2;
	_ =	strace s9  }
0x27: {  	s1 =	sld [smem:$0x3FB0]  }
0x28: {  	s2 =	sld [smem:$0x3FB1]  }
0x29: {  	s4 =	sld [smem:$0x3FB3]  }
0x2a: {  	p0 =	seq.s32 s5, $0x0;
	s5 =	sld [smem:$0x3FB4]  }
0x2b: {  	s6 =	sld [smem:$0x3FB5]  }
0x2c: {  	s7 =	sld [smem:$0x3FB6]  }
0x2d: {  	s3 =	simm.s32 $0x108;
	s8 =	sld [smem:$0x3FB7]  }
0x2e: {  	s3 =	simm.s32 @!p0 $0x1082;
	s9 =	sld [smem:$0x3FB8]  }
0x2f: {  	lr =	sadd.s32 s0, s3;
	s0 =	sld [smem:$0x3FAF]  }
0x30: {  	s3 =	sld [smem:$0x3FB2]  }
0x31: {  	[smem:$0x3FBB] =	sst s10  }
0x32: {  	s10 =	sld [smem:$0x3FB9];
	_ =	sdelay $0x3  }
0x33: {  	p0 =	seq.s32 s10, $0x1;
	s10 =	sld [smem:$0x3FBB];
	_ =	sdelay $0x3  }
0x34: {  	[smem:$0x3FBB] =	sst s10  }
0x35: {  	s10 =	sld [smem:$0x3FBA];
	_ =	sdelay $0x3  }
0x36: {  	p1 =	seq.s32 s10, $0x1;
	s10 =	sld [smem:$0x3FBB];
	_ =	sdelay $0x3  }
0x37: {  	[smem:$0x3FBB] =	sst s10  }
0x38: {  	s10 =	sld [smem:$0x3FBC]  }
0x39: {  	_ = 	snop;
	(pc) =	sbr.ind lr, $3  }
0x3a: {  	_ = 	snop  }
0x3b: {  	_ = 	snop  }
0x3c: {  	p2 =	seq.s32 s10, $0x1;
	s10 =	sld [smem:$0x3FBB]  }
0x3d: {  	_ =	shalt  }
0x3e: {  	_ =	shalt  }
0x3f: {  	_ =	shalt  }
0x40: {  	_ =	shalt  }
0x41: {  	_ =	shalt  }
0x42: {  	_ =	shalt  }
0x43: {  	_ =	shalt  }
0x44: {  	_ =	shalt  }
0x45: {  	_ =	shalt  }
0x46: {  	_ =	shalt  }
0x47: {  	_ =	shalt  }
0x48: {  	_ =	shalt  }
0x49: {  	_ =	shalt  }
0x4a: {  	_ =	shalt  }
0x4b: {  	_ =	shalt  }
0x4c: {  	_ =	shalt  }
0x4d: {  	_ =	shalt  }
0x4e: {  	_ =	shalt  }
0x4f: {  	_ =	shalt  }
0x50: {  	_ =	shalt  }
0x51: {  	_ =	shalt  }
0x52: {  	_ =	shalt  }
0x53: {  	_ =	shalt  }
0x54: {  	_ =	shalt  }
0x55: {  	_ =	shalt  }
0x56: {  	_ =	shalt  }
0x57: {  	_ =	shalt  }
0x58: {  	_ =	shalt  }
0x59: {  	_ =	shalt  }
0x5a: {  	_ =	shalt  }
0x5b: {  	_ =	shalt  }
0x5c: {  	_ =	shalt  }
0x5d: {  	_ =	shalt  }
0x5e: {  	_ =	shalt  }
0x5f: {  	_ =	shalt  }
0x60: {  	_ =	shalt  }
0x61: {  	_ =	shalt  }
0x62: {  	_ =	shalt  }
0x63: {  	_ =	shalt  }
0x64: {  	_ =	shalt  }
0x65: {  	_ =	shalt  }
0x66: {  	_ =	shalt  }
0x67: {  	_ =	shalt  }
0x68: {  	_ =	shalt  }
0x69: {  	_ =	shalt  }
0x6a: {  	_ =	shalt  }
0x6b: {  	_ =	shalt  }
0x6c: {  	_ =	shalt  }
0x6d: {  	_ =	shalt  }
0x6e: {  	_ =	shalt  }
0x6f: {  	_ =	shalt  }
0x70: {  	_ =	shalt  }
0x71: {  	_ =	shalt  }
0x72: {  	_ =	shalt  }
0x73: {  	_ =	shalt  }
0x74: {  	_ =	shalt  }
0x75: {  	_ =	shalt  }
0x76: {  	_ =	shalt  }
0x77: {  	_ =	shalt  }
0x78: {  	_ =	shalt  }
0x79: {  	_ =	shalt  }
0x7a: {  	_ =	shalt  }
0x7b: {  	_ =	shalt  }
0x7c: {  	_ =	shalt  }
0x7d: {  	_ =	shalt  }
0x7e: {  	_ =	shalt  }
0x7f: {  	_ =	shalt  }
0x80: {  	_ =	shalt  }
0x81: {  	_ =	shalt  }
0x82: {  	_ =	shalt  }
0x83: {  	_ =	shalt  }
0x84: {  	_ =	shalt  }
0x85: {  	_ =	shalt  }
0x86: {  	_ =	shalt  }
0x87: {  	_ =	shalt  }
.Lfunc_end0:
.L_simem_size_0:
called_computation_lowered:
.L_overlay_start_0:
0x88: {  	s2 =	sld [smem:$0x3FD9]  }
0x89: {  	s3 =	sld [smem:$0x3FFE];
	_ =	sdelay $0x1  }
0x8a: {  	s1 =	srdreg.scid  }
0x8b: {  	s0 =	sand.u32 $0x1, s1  }
0x8c: {  	s14 =	sshll.u32 s0, $0xA;
	s2 =	sadd.s32 s3, s2  }
0x8d: {  	s2 =	sadd.s32 s2, s14  }
0x8e: {  	[smem:$0x3FC7] =	sst s2  }
0x8f: {  	_ = 	snop  }
0x90: {  	s2 =	sld [smem:$0x3FD0];
	_ =	sdelay $0x2  }
0x91: {  	s4 =	simm.s32 $0xA;
	s5 =	simm.s32 $0x10;
	s15 =	sld [smem:$0x3FC9]  }
0x92: {  	[smem:s5], [sflag:s4] =	dma.local [hbm:s2], $0x1  }
0x93: {  	_ =	swait.eq [sflag:s4], $0x1  }
0x94: {  	[sflag:s4] =	ssyncset.done $0x0  }
0x95: {  	[sflag:s4] =	ssyncadd.s32 $0xFFFFFFFF  }
0x96: {  	s16 =	sld [smem:$0x10];
	(tm) =	ssettm $0x1  }
0x97: {  	s17 =	sld [smem:$0x3FFB];
	_ =	sdelay $0x3  }
0x98: {  	_ =	strace s17  }
0x99: {  	s4 =	sld [smem:$0x3FFC];
	_ =	sdelay $0x3  }
0x9a: {  	_ =	strace s4  }
0x9b: {  	s4 =	sld [smem:$0x3FFD];
	_ =	sdelay $0x3  }
0x9c: {  	_ =	strace s4  }
0x9d: {  	_ =	strace $0x8FFFFFFF  }
0x9e: {  	s18 =	sld [smem:$0x3FDB];
	_ =	sdelay $0x1  }
0x9f: {  	s19 =	simm.s32 $_scs_section_size  }
0xa0: {  	s6 =	simm.s32 $_size__tile_overlayer_lowered;
	s7 =	simm.s32 $_tile_overlayer_lowered  }
0xa1: {  	s22 =	simm.s32 $0x1BFF;
	s21 =	sshll.u32 s7, $0x1;
	s4 =	sadd.s32 s19, s18  }
0xa2: {  	s8 =	simm.s32 $0x0;
	s20 =	sshll.u32 s6, $0x1;
	s6 =	sadd.s32 s21, s4  }
0xa3: {  	[timem:s8], [sflag:s22] =	dma.local [hbm:s6], s20  }
0xa4: {  	_ =	swait.ge [sflag:s22], s20  }
0xa5: {  	s5 =	ssub.s32 $0x0, s20;
	[sflag:s22] =	ssyncset.done $0x0  }
0xa6: {  	[sflag:s22] =	ssyncadd.s32 s5;
	_ =	sdelay $0x1  }
0xa7: {  	s23 =	simm.s32 $0x1B8B  }
0xa8: {  	_ =	swait.ge [sflag:s23], $0x1  }
0xa9: {  	[sflag:s23] =	ssyncset.done $0x0  }
0xaa: {  	s25 =	simm.s32 $0x1B8E;
	s24 =	sld [smem:$0x3FFE];
	[sflag:s23] =	ssyncadd.s32 $0xFFFFFFFF  }
0xab: {  	s26 =	simm.s32 $execute0_lowered;
	[smem:$0x3FD2] =	sst s25  }
0xac: {  	s6 =	sshll.u32 s26, $0x1;
	_ =	strace $0x80000046;
	[dreg:$0x1] =	wrdreg $0xFFFFFFFF  }
0xad: {  	s28 =	simm.s32 $_size_execute0_lowered;
	s4 =	sadd.s32 s4, s6;
	[dreg:$0x0] =	wrdreg $0x0  }
0xae: {  	s6 =	sshll.u32 s28, $0x1;
	[dreg:$0x2] =	wrdreg s4  }
0xaf: {  	[dreg:$0x3] =	wrdreg s6  }
0xb0: {  	[dreg:$0x4] =	wrdreg $0xC0  }
0xb1: {  	_ =	task [dreg:s8], $0x5FFFF  }
0xb2: {  	[dreg:$0x1] =	wrdreg $0xFFFFFFFF  }
0xb3: {  	[dreg:$0x0] =	wrdreg $0x60  }
0xb4: {  	[dreg:$0x2] =	wrdreg s15  }
0xb5: {  	[dreg:$0x3] =	wrdreg s24  }
0xb6: {  	[dreg:$0x4] =	wrdreg s16  }
0xb7: {  	[dreg:$0x5] =	wrdreg $0x9  }
0xb8: {  	_ =	task.clear_ibuf [dreg:s8], $0x6FFFF;
	_ =	strace $0x90000046  }
0xb9: {  	s29 =	simm.s32 $0x9;
	_ =	strace $0x80000048  }
0xba: {  	_ =	swait.ge [sflag:s29], $0x1  }
0xbb: {  	[sflag:s29] =	ssyncadd.s32 $0xFFFFFFFF  }
0xbc: {  	_ =	strace $0x90000048  }
0xbd: {  	_ =	sfence  }
0xbe: {  	s30 =	sld [smem:$0x0];
	_ =	sdelay $0x2  }
0xbf: {  	s31 =	sshll.u32 s1, $0xD;
	s1 =	sshrl.u32 s1, $0x2  }
0xc0: {  	s3 =	sand.u32 $0x4000, s31;
	s1 =	sadd.s32 s1, s30  }
0xc1: {  	s0 =	sor.u32 s3, s0;
	s1 =	sshll.u32 s1, $0x11  }
0xc2: {  	s0 =	sor.u32 s1, s0  }
0xc3: {  	s0 =	sadd.s32 $0x8F2B, s0  }
0xc4: {  	[sflag:s0] =	ssyncadd.remote.s32 $0x1  }
0xc5: {  	_ =	sfence.sel $0xFFFF  }
0xc6: {  	[dreg:$0x0] =	wrdreg $0xFFFFFFFF;
	(pc) =	sbr.abs _section_cstart, $3  }
0xc7: {  	[dreg:$0x1] =	wrdreg $0xFFFFFFFF  }
0xc8: {  	_ =	task.clear_ibuf [dreg:s8], $0x2FFFF;
	_ =	strace $0x9FFFFFFF  }
0xc9: {  	(tm) =	ssettm $0x7FFFFFFF  }
tec
execute0_lowered:
.L_overlay_start_1:
0x0: {  	(tag) =	ssettag $0x1  }
0x1: {  	s1 =	rddreg [dreg:$0x0]  }
0x2: {  	s0 =	rddreg [dreg:$0x1];
	s2 =	srdreg.scid  }
0x3: {  	s8 =	stileid.u32;
	s4 =	rddreg [dreg:$0x2]  }
0x4: {  	s3 =	simm.s32 $0x0;
	s28 =	simm.s32 $0x3400;
	s29 =	simm.s32 $0x3C00  }
0x5: {  	s30 =	simm.s32 $0x4400;
	s31 =	simm.s32 $0x4C00;
	s16 =	simm.s32 $0xAC00  }
0x6: {  	s2 =	sand.u32 $0x1, s2;
	s5 =	sshll.u32 s8, $0x1;
	[smem:$0x7FF] =	sst s3  }
0x7: {  	s23 =	sshll.u32 s8, $0xB;
	s5 =	sor.u32 s2, s5;
	_ =	strace $0x80000047  }
0x8: {  	s2 =	ssub.s32 $0x2, s2;
	s14 =	sand.u32 $0x6000, s23;
	s23 =	simm.s32 $0x1400  }
0x9: {  	s6 =	sshll.u32 s5, $0x7;
	s7 =	smul.u32 $0x6000, s5;
	s20 =	sshrl.u32 s2, $0x1  }
0xa: {  	s5 =	smul.u32 $0x30000, s5;
	s0 =	sadd.s32 s6, s0;
	s2 =	ssub.s32 s2, s20  }
0xb: {  	s6 =	sadd.s32 $0x200, s1;
	s20 =	simm.s32 $0xC00;
	s0 =	sadd.s32 $0x600, s0  }
0xc: {  	s17 =	sadd.s32 s4, s7;
	s5 =	sshrl.u32 s5, $0x3;
	[dreg:$0x4] =	wrdreg s0  }
0xd: {  	s10 =	smax.u32 s2, $0x1;
	s18 =	sadd.s32 $0xC00, s17;
	[dreg:$0xc] =	wrdreg s17  }
0xe: {  	s19 =	sadd.s32 $0x1800, s17;
	s4 =	sadd.s32 s4, s5;
	[dreg:$0x5] =	wrdreg s18  }
0xf: {  	s2 =	simm.s32 $0x5;
	[dreg:$0x6] =	wrdreg s19;
	s21 =	sadd.s32 $0x2400, s4  }
0x10: {  	s5 =	sadd.s32 $0x100, s1;
	s22 =	sadd.s32 $0x3000, s4;
	[dreg:$0x7] =	wrdreg s21  }
0x11: {  	s17 =	simm.s32 $0xBC00;
	s24 =	sadd.s32 $0x3C00, s4;
	[dreg:$0x8] =	wrdreg s22  }
0x12: {  	s25 =	sadd.s32 $0x4800, s4;
	s26 =	sadd.s32 $0x5400, s4;
	[dreg:$0x9] =	wrdreg s24  }
0x13: {  	v3 =	vlaneseq.u32;
	s18 =	simm.s32 $0xC400;
	s4 =	simm.s32 $0x12400;
	[dreg:$0xa] =	wrdreg s25  }
0x14: {  	vm0 =	vmmov $0xffff;
	v1 =	vand.u32 $0x7, v3;
	v2 =	vshrl.u32 v3, $0x3;
	[dreg:$0xb] =	wrdreg s26;
	s24 =	simm.s32 $0x1C00;
	s25 =	simm.s32 $0x2400  }
0x15: {  	v3 =	vor.u32 $0x8, v3;
	v2 =	vmul.u32 $0x8, v2;
	v0 =	vmov s14;
	s26 =	simm.s32 $0x2C00;
	s22 =	simm.s32 $0x8400;
	s21 =	simm.s32 $0xB400  }
.LBB2_1:
0x16: {  	s19 =	rddreg [dreg:$0x4];
	s0 =	simm.s32 $0x9  }
0x17: {  	[tilespmem:s3], [sflag:$0x9] =	stream.linear.gather [hbm4b:s19+s3], $0x400, $0x38;
	[tilespmem:$0x18400] =	vst v63  }
0x18: {  	_ =	swait.ge [sflag:s0], $0x400  }
0x19: {  	[sflag:s0] =	ssyncset.done $0x0  }
0x1a: {  	[sflag:s0] =	ssyncadd.s32 $0xFFFFFC00  }
0x1b: {  	v4 =	vld [tilespmem:$0x0]  }
0x1c: {  	v5 =	vld [tilespmem:$0x10]  }
0x1d: {  	v6 =	vld [tilespmem:$0x80]  }
0x1e: {  	v7 =	vld [tilespmem:$0x90]  }
0x1f: {  	v8 =	vld [tilespmem:$0x100]  }
0x20: {  	v10 =	vld [tilespmem:$0x110];
	v9 =	vadd.s32 v0, v4  }
0x21: {  	v11 =	vld [tilespmem:$0x180];
	v5 =	vadd.s32 v0, v5;
	[tilespmem:$0x0] =	vst v9  }
0x22: {  	v53 =	vld [tilespmem:$0x190];
	[tilespmem:$0x10] =	vst v5;
	v5 =	vadd.s32 v0, v6  }
0x23: {  	v54 =	vld [tilespmem:$0x200];
	[tilespmem:$0x80] =	vst v5;
	v5 =	vadd.s32 v0, v7  }
0x24: {  	v55 =	vld [tilespmem:$0x210];
	[tilespmem:$0x90] =	vst v5;
	v5 =	vadd.s32 v0, v8  }
0x25: {  	v56 =	vld [tilespmem:$0x280];
	[tilespmem:$0x100] =	vst v5;
	v5 =	vadd.s32 v0, v10  }
0x26: {  	v57 =	vld [tilespmem:$0x290];
	v9 =	vshrl.u32 v9, $0x3;
	[tilespmem:$0x110] =	vst v5;
	v5 =	vadd.s32 v0, v11  }
0x27: {  	v58 =	vld [tilespmem:$0x300];
	v9 =	vmul.u32 $0x30, v9;
	[tilespmem:$0x180] =	vst v5;
	v5 =	vadd.s32 v0, v53  }
0x28: {  	v59 =	vld [tilespmem:$0x310];
	v4 =	vand.u32 $0x7, v4;
	[tilespmem:$0x190] =	vst v5;
	v5 =	vadd.s32 v0, v54  }
0x29: {  	v60 =	vld [tilespmem:$0x380];
	v4 =	vor.u32 v4, v9;
	[tilespmem:$0x200] =	vst v5;
	v5 =	vadd.s32 v0, v55  }
0x2a: {  	v61 =	vld [tilespmem:$0x390];
	v62 =	vperm.xlane v4, v1;
	[tilespmem:$0x210] =	vst v5;
	v5 =	vadd.s32 v0, v56  }
0x2b: {  	[tilespmem:$0x280] =	vst v5;
	v5 =	vadd.s32 v0, v57  }
0x2c: {  	v63 =	vadd.s32 v2, v62;
	[tilespmem:$0x290] =	vst v5;
	v5 =	vadd.s32 v0, v58  }
0x2d: {  	[tilespmem:$0x300] =	vst v5;
	v5 =	vadd.s32 v0, v59  }
0x2e: {  	[tilespmem:$0x310] =	vst v5;
	v5 =	vadd.s32 v0, v60  }
0x2f: {  	[tilespmem:$0x380] =	vst v5;
	v5 =	vadd.s32 v0, v61  }
0x30: {  	s12 =	simm.s32 $0x400;
	v4 =	vperm.xlane v4, v3;
	[tilespmem:$0x390] =	vst v5  }
0x31: {  	[tilespmem:s12], [sflag:$0x1] =	stream.indirect_vreg.gather [hbm4b:s1+s3], $0x80, v63, vm0, $0xb8;
	[tilespmem:$0x18400] =	vst v63  }
0x32: {  	v4 =	vadd.s32 v2, v4  }
0x33: {  	[tilespmem:s20], [sflag:$0x1] =	stream.indirect_vreg.gather [hbm4b:s5+s3], $0x80, v63, vm0, $0xb8;
	[tilespmem:$0x18400] =	vst v63  }
0x34: {  	_ = 	snop  }
0x35: {  	[tilespmem:s23], [sflag:$0x1] =	stream.indirect_vreg.gather [hbm4b:s6+s3], $0x80, v63, vm0, $0xb8;
	[tilespmem:$0x18400] =	vst v63  }
0x36: {  	_ = 	snop  }
0x37: {  	[tilespmem:s24], [sflag:$0x1] =	stream.indirect_vreg.gather [hbm4b:s1+s3], $0x80, v4, vm0, $0xb8;
	[tilespmem:$0x18400] =	vst v63  }
0x38: {  	_ = 	snop  }
0x39: {  	[tilespmem:s25], [sflag:$0x1] =	stream.indirect_vreg.gather [hbm4b:s5+s3], $0x80, v4, vm0, $0xb8;
	[tilespmem:$0x18400] =	vst v63  }
0x3a: {  	_ = 	snop  }
0x3b: {  	[tilespmem:s26], [sflag:$0x1] =	stream.indirect_vreg.gather [hbm4b:s6+s3], $0x80, v4, vm0, $0xb8;
	[tilespmem:$0x18400] =	vst v63  }
0x3c: {  	v4 =	vld [tilespmem:$0x10];
	_ =	sdelay $0x4  }
0x3d: {  	v5 =	vshrl.u32 v4, $0x3  }
0x3e: {  	v5 =	vmul.u32 $0x30, v5  }
0x3f: {  	v4 =	vand.u32 $0x7, v4  }
0x40: {  	v4 =	vor.u32 v4, v5  }
0x41: {  	v5 =	vperm.xlane v4, v1;
	_ =	sdelay $0x1  }
0x42: {  	v5 =	vadd.s32 v2, v5;
	_ =	sdelay $0x3  }
0x43: {  	v4 =	vperm.xlane v4, v3  }
0x44: {  	[tilespmem:s28], [sflag:$0x1] =	stream.indirect_vreg.gather [hbm4b:s1+s3], $0x80, v5, vm0, $0xb8;
	[tilespmem:$0x18400] =	vst v63  }
0x45: {  	v4 =	vadd.s32 v2, v4  }
0x46: {  	[tilespmem:s29], [sflag:$0x1] =	stream.indirect_vreg.gather [hbm4b:s5+s3], $0x80, v5, vm0, $0xb8;
	[tilespmem:$0x18400] =	vst v63  }
0x47: {  	_ = 	snop  }
0x48: {  	[tilespmem:s30], [sflag:$0x1] =	stream.indirect_vreg.gather [hbm4b:s6+s3], $0x80, v5, vm0, $0xb8;
	[tilespmem:$0x18400] =	vst v63  }
0x49: {  	_ = 	snop  }
0x4a: {  	[tilespmem:s31], [sflag:$0x1] =	stream.indirect_vreg.gather [hbm4b:s1+s3], $0x80, v4, vm0, $0xb8;
	[tilespmem:$0x18400] =	vst v63  }
0x4b: {  	s8 =	simm.s32 $0x5400  }
0x4c: {  	[tilespmem:s8], [sflag:$0x1] =	stream.indirect_vreg.gather [hbm4b:s5+s3], $0x80, v4, vm0, $0xb8;
	[tilespmem:$0x18400] =	vst v63  }
0x4d: {  	s9 =	simm.s32 $0x5C00  }
0x4e: {  	[tilespmem:s9], [sflag:$0x1] =	stream.indirect_vreg.gather [hbm4b:s6+s3], $0x80, v4, vm0, $0xb8;
	[tilespmem:$0x18400] =	vst v63  }
0x4f: {  	v4 =	vld [tilespmem:$0x80];
	_ =	sdelay $0x4  }
0x50: {  	v5 =	vshrl.u32 v4, $0x3  }
0x51: {  	v5 =	vmul.u32 $0x30, v5  }
0x52: {  	v4 =	vand.u32 $0x7, v4  }
0x53: {  	v4 =	vor.u32 v4, v5  }
0x54: {  	v5 =	vperm.xlane v4, v1;
	_ =	sdelay $0x1  }
0x55: {  	v5 =	vadd.s32 v2, v5;
	_ =	sdelay $0x3  }
0x56: {  	s13 =	simm.s32 $0x6400;
	v4 =	vperm.xlane v4, v3  }
0x57: {  	[tilespmem:s13], [sflag:$0x2] =	stream.indirect_vreg.gather [hbm4b:s1+s3], $0x80, v5, vm0, $0xb8;
	[tilespmem:$0x18400] =	vst v63  }
0x58: {  	s11 =	simm.s32 $0x6C00;
	v4 =	vadd.s32 v2, v4  }
0x59: {  	[tilespmem:s11], [sflag:$0x2] =	stream.indirect_vreg.gather [hbm4b:s5+s3], $0x80, v5, vm0, $0xb8;
	[tilespmem:$0x18400] =	vst v63  }
0x5a: {  	s14 =	simm.s32 $0x7400  }
0x5b: {  	[tilespmem:s14], [sflag:$0x2] =	stream.indirect_vreg.gather [hbm4b:s6+s3], $0x80, v5, vm0, $0xb8;
	[tilespmem:$0x18400] =	vst v63  }
0x5c: {  	s15 =	simm.s32 $0x7C00  }
0x5d: {  	[tilespmem:s15], [sflag:$0x2] =	stream.indirect_vreg.gather [hbm4b:s1+s3], $0x80, v4, vm0, $0xb8;
	[tilespmem:$0x18400] =	vst v63  }
0x5e: {  	_ = 	snop  }
0x5f: {  	[tilespmem:s22], [sflag:$0x2] =	stream.indirect_vreg.gather [hbm4b:s5+s3], $0x80, v4, vm0, $0xb8;
	[tilespmem:$0x18400] =	vst v63  }
0x60: {  	s12 =	simm.s32 $0x8C00  }
0x61: {  	[tilespmem:s12], [sflag:$0x2] =	stream.indirect_vreg.gather [hbm4b:s6+s3], $0x80, v4, vm0, $0xb8;
	[tilespmem:$0x18400] =	vst v63  }
0x62: {  	v4 =	vld [tilespmem:$0x90];
	_ =	sdelay $0x4  }
0x63: {  	v5 =	vshrl.u32 v4, $0x3  }
0x64: {  	v5 =	vmul.u32 $0x30, v5  }
0x65: {  	v4 =	vand.u32 $0x7, v4  }
0x66: {  	v4 =	vor.u32 v4, v5  }
0x67: {  	v5 =	vperm.xlane v4, v1;
	_ =	sdelay $0x1  }
0x68: {  	v5 =	vadd.s32 v2, v5;
	_ =	sdelay $0x3  }
0x69: {  	s13 =	simm.s32 $0x9400;
	v4 =	vperm.xlane v4, v3  }
0x6a: {  	[tilespmem:s13], [sflag:$0x2] =	stream.indirect_vreg.gather [hbm4b:s1+s3], $0x80, v5, vm0, $0xb8;
	[tilespmem:$0x18400] =	vst v63  }
0x6b: {  	s14 =	simm.s32 $0x9C00;
	v4 =	vadd.s32 v2, v4  }
0x6c: {  	[tilespmem:s14], [sflag:$0x2] =	stream.indirect_vreg.gather [hbm4b:s5+s3], $0x80, v5, vm0, $0xb8;
	[tilespmem:$0x18400] =	vst v63  }
0x6d: {  	s15 =	simm.s32 $0xA400  }
0x6e: {  	[tilespmem:s15], [sflag:$0x2] =	stream.indirect_vreg.gather [hbm4b:s6+s3], $0x80, v5, vm0, $0xb8;
	[tilespmem:$0x18400] =	vst v63  }
0x6f: {  	_ = 	snop  }
0x70: {  	[tilespmem:s16], [sflag:$0x2] =	stream.indirect_vreg.gather [hbm4b:s1+s3], $0x80, v4, vm0, $0xb8;
	[tilespmem:$0x18400] =	vst v63  }
0x71: {  	_ = 	snop  }
0x72: {  	[tilespmem:s21], [sflag:$0x2] =	stream.indirect_vreg.gather [hbm4b:s5+s3], $0x80, v4, vm0, $0xb8;
	[tilespmem:$0x18400] =	vst v63  }
0x73: {  	_ = 	snop  }
0x74: {  	[tilespmem:s17], [sflag:$0x2] =	stream.indirect_vreg.gather [hbm4b:s6+s3], $0x80, v4, vm0, $0xb8;
	[tilespmem:$0x18400] =	vst v63  }
0x75: {  	v4 =	vld [tilespmem:$0x100];
	_ =	sdelay $0x4  }
0x76: {  	v5 =	vshrl.u32 v4, $0x3  }
0x77: {  	v5 =	vmul.u32 $0x30, v5  }
0x78: {  	v4 =	vand.u32 $0x7, v4  }
0x79: {  	v4 =	vor.u32 v4, v5  }
0x7a: {  	v5 =	vperm.xlane v4, v1;
	_ =	sdelay $0x1  }
0x7b: {  	v5 =	vadd.s32 v2, v5;
	_ =	sdelay $0x3  }
0x7c: {  	v4 =	vperm.xlane v4, v3  }
0x7d: {  	[tilespmem:s18], [sflag:$0x3] =	stream.indirect_vreg.gather [hbm4b:s1+s3], $0x80, v5, vm0, $0xb8;
	[tilespmem:$0x18400] =	vst v63  }
0x7e: {  	s19 =	simm.s32 $0xCC00;
	v4 =	vadd.s32 v2, v4  }
0x7f: {  	[tilespmem:s19], [sflag:$0x3] =	stream.indirect_vreg.gather [hbm4b:s5+s3], $0x80, v5, vm0, $0xb8;
	[tilespmem:$0x18400] =	vst v63  }
0x80: {  	s7 =	simm.s32 $0xD400  }
0x81: {  	[tilespmem:s7], [sflag:$0x3] =	stream.indirect_vreg.gather [hbm4b:s6+s3], $0x80, v5, vm0, $0xb8;
	[tilespmem:$0x18400] =	vst v63  }
0x82: {  	s19 =	simm.s32 $0xDC00  }
0x83: {  	[tilespmem:s19], [sflag:$0x3] =	stream.indirect_vreg.gather [hbm4b:s1+s3], $0x80, v4, vm0, $0xb8;
	[tilespmem:$0x18400] =	vst v63  }
0x84: {  	s7 =	simm.s32 $0xE400  }
0x85: {  	[tilespmem:s7], [sflag:$0x3] =	stream.indirect_vreg.gather [hbm4b:s5+s3], $0x80, v4, vm0, $0xb8;
	[tilespmem:$0x18400] =	vst v63  }
0x86: {  	s19 =	simm.s32 $0xEC00  }
0x87: {  	[tilespmem:s19], [sflag:$0x3] =	stream.indirect_vreg.gather [hbm4b:s6+s3], $0x80, v4, vm0, $0xb8;
	[tilespmem:$0x18400] =	vst v63  }
0x88: {  	v4 =	vld [tilespmem:$0x110];
	_ =	sdelay $0x4  }
0x89: {  	v5 =	vshrl.u32 v4, $0x3  }
0x8a: {  	v5 =	vmul.u32 $0x30, v5  }
0x8b: {  	v4 =	vand.u32 $0x7, v4  }
0x8c: {  	v4 =	vor.u32 v4, v5  }
0x8d: {  	v5 =	vperm.xlane v4, v1;
	_ =	sdelay $0x1  }
0x8e: {  	v5 =	vadd.s32 v2, v5;
	_ =	sdelay $0x3  }
0x8f: {  	s7 =	simm.s32 $0xF400;
	v4 =	vperm.xlane v4, v3  }
0x90: {  	[tilespmem:s7], [sflag:$0x3] =	stream.indirect_vreg.gather [hbm4b:s1+s3], $0x80, v5, vm0, $0xb8;
	[tilespmem:$0x18400] =	vst v63  }
0x91: {  	s19 =	simm.s32 $0xFC00;
	v4 =	vadd.s32 v2, v4  }
0x92: {  	[tilespmem:s19], [sflag:$0x3] =	stream.indirect_vreg.gather [hbm4b:s5+s3], $0x80, v5, vm0, $0xb8;
	[tilespmem:$0x18400] =	vst v63  }
0x93: {  	s7 =	simm.s32 $0x10400  }
0x94: {  	[tilespmem:s7], [sflag:$0x3] =	stream.indirect_vreg.gather [hbm4b:s6+s3], $0x80, v5, vm0, $0xb8;
	[tilespmem:$0x18400] =	vst v63  }
0x95: {  	s19 =	simm.s32 $0x10C00  }
0x96: {  	[tilespmem:s19], [sflag:$0x3] =	stream.indirect_vreg.gather [hbm4b:s1+s3], $0x80, v4, vm0, $0xb8;
	[tilespmem:$0x18400] =	vst v63  }
0x97: {  	s7 =	simm.s32 $0x11400  }
0x98: {  	[tilespmem:s7], [sflag:$0x3] =	stream.indirect_vreg.gather [hbm4b:s5+s3], $0x80, v4, vm0, $0xb8;
	[tilespmem:$0x18400] =	vst v63  }
0x99: {  	s19 =	simm.s32 $0x11C00  }
0x9a: {  	[tilespmem:s19], [sflag:$0x3] =	stream.indirect_vreg.gather [hbm4b:s6+s3], $0x80, v4, vm0, $0xb8;
	[tilespmem:$0x18400] =	vst v63  }
0x9b: {  	v4 =	vld [tilespmem:$0x180];
	_ =	sdelay $0x4  }
0x9c: {  	v5 =	vshrl.u32 v4, $0x3  }
0x9d: {  	v5 =	vmul.u32 $0x30, v5  }
0x9e: {  	v4 =	vand.u32 $0x7, v4  }
0x9f: {  	v4 =	vor.u32 v4, v5  }
0xa0: {  	v5 =	vperm.xlane v4, v1;
	_ =	sdelay $0x1  }
0xa1: {  	v5 =	vadd.s32 v2, v5;
	_ =	sdelay $0x3  }
0xa2: {  	v4 =	vperm.xlane v4, v3  }
0xa3: {  	[tilespmem:s4], [sflag:$0x4] =	stream.indirect_vreg.gather [hbm4b:s1+s3], $0x80, v5, vm0, $0xb8;
	[tilespmem:$0x18400] =	vst v63  }
0xa4: {  	s7 =	simm.s32 $0x12C00;
	v4 =	vadd.s32 v2, v4  }
0xa5: {  	[tilespmem:s7], [sflag:$0x4] =	stream.indirect_vreg.gather [hbm4b:s5+s3], $0x80, v5, vm0, $0xb8;
	[tilespmem:$0x18400] =	vst v63  }
0xa6: {  	s19 =	simm.s32 $0x13400  }
0xa7: {  	[tilespmem:s19], [sflag:$0x4] =	stream.indirect_vreg.gather [hbm4b:s6+s3], $0x80, v5, vm0, $0xb8;
	[tilespmem:$0x18400] =	vst v63  }
0xa8: {  	s7 =	simm.s32 $0x13C00  }
0xa9: {  	[tilespmem:s7], [sflag:$0x4] =	stream.indirect_vreg.gather [hbm4b:s1+s3], $0x80, v4, vm0, $0xb8;
	[tilespmem:$0x18400] =	vst v63  }
0xaa: {  	s19 =	simm.s32 $0x14400  }
0xab: {  	[tilespmem:s19], [sflag:$0x4] =	stream.indirect_vreg.gather [hbm4b:s5+s3], $0x80, v4, vm0, $0xb8;
	[tilespmem:$0x18400] =	vst v63  }
0xac: {  	s7 =	simm.s32 $0x14C00  }
0xad: {  	[tilespmem:s7], [sflag:$0x4] =	stream.indirect_vreg.gather [hbm4b:s6+s3], $0x80, v4, vm0, $0xb8;
	[tilespmem:$0x18400] =	vst v63  }
0xae: {  	v4 =	vld [tilespmem:$0x190];
	_ =	sdelay $0x4  }
0xaf: {  	v5 =	vshrl.u32 v4, $0x3  }
0xb0: {  	v5 =	vmul.u32 $0x30, v5  }
0xb1: {  	v4 =	vand.u32 $0x7, v4  }
0xb2: {  	v4 =	vor.u32 v4, v5  }
0xb3: {  	v5 =	vperm.xlane v4, v1;
	_ =	sdelay $0x1  }
0xb4: {  	v5 =	vadd.s32 v2, v5;
	_ =	sdelay $0x3  }
0xb5: {  	s19 =	simm.s32 $0x15400;
	v4 =	vperm.xlane v4, v3  }
0xb6: {  	[tilespmem:s19], [sflag:$0x4] =	stream.indirect_vreg.gather [hbm4b:s1+s3], $0x80, v5, vm0, $0xb8;
	[tilespmem:$0x18400] =	vst v63  }
0xb7: {  	s7 =	simm.s32 $0x15C00;
	v4 =	vadd.s32 v2, v4  }
0xb8: {  	[tilespmem:s7], [sflag:$0x4] =	stream.indirect_vreg.gather [hbm4b:s5+s3], $0x80, v5, vm0, $0xb8;
	[tilespmem:$0x18400] =	vst v63  }
0xb9: {  	s19 =	simm.s32 $0x16400  }
0xba: {  	[tilespmem:s19], [sflag:$0x4] =	stream.indirect_vreg.gather [hbm4b:s6+s3], $0x80, v5, vm0, $0xb8;
	[tilespmem:$0x18400] =	vst v63  }
0xbb: {  	s7 =	simm.s32 $0x16C00  }
0xbc: {  	[tilespmem:s7], [sflag:$0x4] =	stream.indirect_vreg.gather [hbm4b:s1+s3], $0x80, v4, vm0, $0xb8;
	[tilespmem:$0x18400] =	vst v63  }
0xbd: {  	s19 =	simm.s32 $0x17400  }
0xbe: {  	[tilespmem:s19], [sflag:$0x4] =	stream.indirect_vreg.gather [hbm4b:s5+s3], $0x80, v4, vm0, $0xb8;
	[tilespmem:$0x18400] =	vst v63  }
0xbf: {  	s0 =	simm.s32 $0x1;
	s7 =	simm.s32 $0x17C00  }
0xc0: {  	[tilespmem:s7], [sflag:$0x4] =	stream.indirect_vreg.gather [hbm4b:s6+s3], $0x80, v4, vm0, $0xb8;
	[tilespmem:$0x18400] =	vst v63  }
0xc1: {  	_ =	swait.ge [sflag:s0], $0x6000  }
0xc2: {  	[sflag:s0] =	ssyncset.done $0x0  }
0xc3: {  	s7 =	simm.s32 $0x400;
	s19 =	rddreg [dreg:$0xc];
	[sflag:s0] =	ssyncadd.s32 $0xFFFFA000  }
0xc4: {  	[hbm4b:s19+s3] =	stream.linear.scatter [tilespmem:s7], [sflag:$0x5], $0x6000, $0x38;
	[tilespmem:$0x18400] =	vst v63  }
0xc5: {  	_ =	swait.ge [sflag:s2], $0x6000  }
0xc6: {  	[sflag:s2] =	ssyncset.done $0x0  }
0xc7: {  	[sflag:s2] =	ssyncadd.s32 $0xFFFFA000  }
0xc8: {  	v4 =	vld [tilespmem:$0x200];
	_ =	sdelay $0x4  }
0xc9: {  	v5 =	vshrl.u32 v4, $0x3  }
0xca: {  	v5 =	vmul.u32 $0x30, v5  }
0xcb: {  	v4 =	vand.u32 $0x7, v4  }
0xcc: {  	v4 =	vor.u32 v4, v5  }
0xcd: {  	v5 =	vperm.xlane v4, v1;
	_ =	sdelay $0x1  }
0xce: {  	v5 =	vadd.s32 v2, v5;
	_ =	sdelay $0x3  }
0xcf: {  	v4 =	vperm.xlane v4, v3  }
0xd0: {  	[tilespmem:s7], [sflag:$0x1] =	stream.indirect_vreg.gather [hbm4b:s1+s3], $0x80, v5, vm0, $0xb8;
	[tilespmem:$0x18400] =	vst v63  }
0xd1: {  	v4 =	vadd.s32 v2, v4  }
0xd2: {  	[tilespmem:s20], [sflag:$0x1] =	stream.indirect_vreg.gather [hbm4b:s5+s3], $0x80, v5, vm0, $0xb8;
	[tilespmem:$0x18400] =	vst v63  }
0xd3: {  	_ = 	snop  }
0xd4: {  	[tilespmem:s23], [sflag:$0x1] =	stream.indirect_vreg.gather [hbm4b:s6+s3], $0x80, v5, vm0, $0xb8;
	[tilespmem:$0x18400] =	vst v63  }
0xd5: {  	_ = 	snop  }
0xd6: {  	[tilespmem:s24], [sflag:$0x1] =	stream.indirect_vreg.gather [hbm4b:s1+s3], $0x80, v4, vm0, $0xb8;
	[tilespmem:$0x18400] =	vst v63  }
0xd7: {  	_ = 	snop  }
0xd8: {  	[tilespmem:s25], [sflag:$0x1] =	stream.indirect_vreg.gather [hbm4b:s5+s3], $0x80, v4, vm0, $0xb8;
	[tilespmem:$0x18400] =	vst v63  }
0xd9: {  	_ = 	snop  }
0xda: {  	[tilespmem:s26], [sflag:$0x1] =	stream.indirect_vreg.gather [hbm4b:s6+s3], $0x80, v4, vm0, $0xb8;
	[tilespmem:$0x18400] =	vst v63  }
0xdb: {  	v4 =	vld [tilespmem:$0x210];
	_ =	sdelay $0x4  }
0xdc: {  	v5 =	vshrl.u32 v4, $0x3  }
0xdd: {  	v5 =	vmul.u32 $0x30, v5  }
0xde: {  	v4 =	vand.u32 $0x7, v4  }
0xdf: {  	v4 =	vor.u32 v4, v5  }
0xe0: {  	v5 =	vperm.xlane v4, v1;
	_ =	sdelay $0x1  }
0xe1: {  	v5 =	vadd.s32 v2, v5;
	_ =	sdelay $0x3  }
0xe2: {  	v4 =	vperm.xlane v4, v3  }
0xe3: {  	[tilespmem:s28], [sflag:$0x1] =	stream.indirect_vreg.gather [hbm4b:s1+s3], $0x80, v5, vm0, $0xb8;
	[tilespmem:$0x18400] =	vst v63  }
0xe4: {  	v4 =	vadd.s32 v2, v4  }
0xe5: {  	[tilespmem:s29], [sflag:$0x1] =	stream.indirect_vreg.gather [hbm4b:s5+s3], $0x80, v5, vm0, $0xb8;
	[tilespmem:$0x18400] =	vst v63  }
0xe6: {  	_ = 	snop  }
0xe7: {  	[tilespmem:s30], [sflag:$0x1] =	stream.indirect_vreg.gather [hbm4b:s6+s3], $0x80, v5, vm0, $0xb8;
	[tilespmem:$0x18400] =	vst v63  }
0xe8: {  	_ = 	snop  }
0xe9: {  	[tilespmem:s31], [sflag:$0x1] =	stream.indirect_vreg.gather [hbm4b:s1+s3], $0x80, v4, vm0, $0xb8;
	[tilespmem:$0x18400] =	vst v63  }
0xea: {  	_ = 	snop  }
0xeb: {  	[tilespmem:s8], [sflag:$0x1] =	stream.indirect_vreg.gather [hbm4b:s5+s3], $0x80, v4, vm0, $0xb8;
	[tilespmem:$0x18400] =	vst v63  }
0xec: {  	s8 =	simm.s32 $0x2  }
0xed: {  	[tilespmem:s9], [sflag:$0x1] =	stream.indirect_vreg.gather [hbm4b:s6+s3], $0x80, v4, vm0, $0xb8;
	[tilespmem:$0x18400] =	vst v63  }
0xee: {  	_ =	swait.ge [sflag:s8], $0x6000  }
0xef: {  	[sflag:s8] =	ssyncset.done $0x0  }
0xf0: {  	s7 =	simm.s32 $0x6400;
	s9 =	rddreg [dreg:$0x5];
	[sflag:s8] =	ssyncadd.s32 $0xFFFFA000  }
0xf1: {  	[hbm4b:s9+s3] =	stream.linear.scatter [tilespmem:s7], [sflag:$0x6], $0x6000, $0x38;
	[tilespmem:$0x18400] =	vst v63  }
0xf2: {  	s9 =	simm.s32 $0x6  }
0xf3: {  	_ =	swait.ge [sflag:s9], $0x6000  }
0xf4: {  	[sflag:s9] =	ssyncset.done $0x0  }
0xf5: {  	[sflag:s9] =	ssyncadd.s32 $0xFFFFA000  }
0xf6: {  	v4 =	vld [tilespmem:$0x280];
	_ =	sdelay $0x4  }
0xf7: {  	v5 =	vshrl.u32 v4, $0x3  }
0xf8: {  	v5 =	vmul.u32 $0x30, v5  }
0xf9: {  	v4 =	vand.u32 $0x7, v4  }
0xfa: {  	v4 =	vor.u32 v4, v5  }
0xfb: {  	v5 =	vperm.xlane v4, v1;
	_ =	sdelay $0x1  }
0xfc: {  	v5 =	vadd.s32 v2, v5;
	_ =	sdelay $0x3  }
0xfd: {  	v4 =	vperm.xlane v4, v3  }
0xfe: {  	[tilespmem:s7], [sflag:$0x2] =	stream.indirect_vreg.gather [hbm4b:s1+s3], $0x80, v5, vm0, $0xb8;
	[tilespmem:$0x18400] =	vst v63  }
0xff: {  	v4 =	vadd.s32 v2, v4  }
0x100: {  	[tilespmem:s11], [sflag:$0x2] =	stream.indirect_vreg.gather [hbm4b:s5+s3], $0x80, v5, vm0, $0xb8;
	[tilespmem:$0x18400] =	vst v63  }
0x101: {  	s19 =	simm.s32 $0x7400  }
0x102: {  	[tilespmem:s19], [sflag:$0x2] =	stream.indirect_vreg.gather [hbm4b:s6+s3], $0x80, v5, vm0, $0xb8;
	[tilespmem:$0x18400] =	vst v63  }
0x103: {  	s19 =	simm.s32 $0x7C00  }
0x104: {  	[tilespmem:s19], [sflag:$0x2] =	stream.indirect_vreg.gather [hbm4b:s1+s3], $0x80, v4, vm0, $0xb8;
	[tilespmem:$0x18400] =	vst v63  }
0x105: {  	_ = 	snop  }
0x106: {  	[tilespmem:s22], [sflag:$0x2] =	stream.indirect_vreg.gather [hbm4b:s5+s3], $0x80, v4, vm0, $0xb8;
	[tilespmem:$0x18400] =	vst v63  }
0x107: {  	_ = 	snop  }
0x108: {  	[tilespmem:s12], [sflag:$0x2] =	stream.indirect_vreg.gather [hbm4b:s6+s3], $0x80, v4, vm0, $0xb8;
	[tilespmem:$0x18400] =	vst v63  }
0x109: {  	v4 =	vld [tilespmem:$0x290];
	_ =	sdelay $0x4  }
0x10a: {  	v5 =	vshrl.u32 v4, $0x3  }
0x10b: {  	v5 =	vmul.u32 $0x30, v5  }
0x10c: {  	v4 =	vand.u32 $0x7, v4  }
0x10d: {  	v4 =	vor.u32 v4, v5  }
0x10e: {  	v5 =	vperm.xlane v4, v1;
	_ =	sdelay $0x1  }
0x10f: {  	v5 =	vadd.s32 v2, v5;
	_ =	sdelay $0x3  }
0x110: {  	v4 =	vperm.xlane v4, v3  }
0x111: {  	[tilespmem:s13], [sflag:$0x2] =	stream.indirect_vreg.gather [hbm4b:s1+s3], $0x80, v5, vm0, $0xb8;
	[tilespmem:$0x18400] =	vst v63  }
0x112: {  	v4 =	vadd.s32 v2, v4  }
0x113: {  	[tilespmem:s14], [sflag:$0x2] =	stream.indirect_vreg.gather [hbm4b:s5+s3], $0x80, v5, vm0, $0xb8;
	[tilespmem:$0x18400] =	vst v63  }
0x114: {  	_ = 	snop  }
0x115: {  	[tilespmem:s15], [sflag:$0x2] =	stream.indirect_vreg.gather [hbm4b:s6+s3], $0x80, v5, vm0, $0xb8;
	[tilespmem:$0x18400] =	vst v63  }
0x116: {  	_ = 	snop  }
0x117: {  	[tilespmem:s16], [sflag:$0x2] =	stream.indirect_vreg.gather [hbm4b:s1+s3], $0x80, v4, vm0, $0xb8;
	[tilespmem:$0x18400] =	vst v63  }
0x118: {  	_ = 	snop  }
0x119: {  	[tilespmem:s21], [sflag:$0x2] =	stream.indirect_vreg.gather [hbm4b:s5+s3], $0x80, v4, vm0, $0xb8;
	[tilespmem:$0x18400] =	vst v63  }
0x11a: {  	s11 =	simm.s32 $0x3  }
0x11b: {  	[tilespmem:s17], [sflag:$0x2] =	stream.indirect_vreg.gather [hbm4b:s6+s3], $0x80, v4, vm0, $0xb8;
	[tilespmem:$0x18400] =	vst v63  }
0x11c: {  	_ =	swait.ge [sflag:s11], $0x6000  }
0x11d: {  	[sflag:s11] =	ssyncset.done $0x0  }
0x11e: {  	s12 =	simm.s32 $0x7;
	s15 =	rddreg [dreg:$0x6];
	[sflag:s11] =	ssyncadd.s32 $0xFFFFA000  }
0x11f: {  	[hbm4b:s15+s3] =	stream.linear.scatter [tilespmem:s18], [sflag:$0x7], $0x6000, $0x38;
	[tilespmem:$0x18400] =	vst v63  }
0x120: {  	_ =	swait.ge [sflag:s12], $0x6000  }
0x121: {  	[sflag:s12] =	ssyncset.done $0x0  }
0x122: {  	[sflag:s12] =	ssyncadd.s32 $0xFFFFA000  }
0x123: {  	v4 =	vld [tilespmem:$0x300];
	_ =	sdelay $0x4  }
0x124: {  	v5 =	vshrl.u32 v4, $0x3  }
0x125: {  	v5 =	vmul.u32 $0x30, v5  }
0x126: {  	v4 =	vand.u32 $0x7, v4  }
0x127: {  	v4 =	vor.u32 v4, v5  }
0x128: {  	v5 =	vperm.xlane v4, v1;
	_ =	sdelay $0x1  }
0x129: {  	v5 =	vadd.s32 v2, v5;
	_ =	sdelay $0x3  }
0x12a: {  	v4 =	vperm.xlane v4, v3  }
0x12b: {  	[tilespmem:s18], [sflag:$0x3] =	stream.indirect_vreg.gather [hbm4b:s1+s3], $0x80, v5, vm0, $0xb8;
	[tilespmem:$0x18400] =	vst v63  }
0x12c: {  	s19 =	simm.s32 $0xCC00;
	v4 =	vadd.s32 v2, v4  }
0x12d: {  	[tilespmem:s19], [sflag:$0x3] =	stream.indirect_vreg.gather [hbm4b:s5+s3], $0x80, v5, vm0, $0xb8;
	[tilespmem:$0x18400] =	vst v63  }
0x12e: {  	s14 =	simm.s32 $0xD400  }
0x12f: {  	[tilespmem:s14], [sflag:$0x3] =	stream.indirect_vreg.gather [hbm4b:s6+s3], $0x80, v5, vm0, $0xb8;
	[tilespmem:$0x18400] =	vst v63  }
0x130: {  	s15 =	simm.s32 $0xDC00  }
0x131: {  	[tilespmem:s15], [sflag:$0x3] =	stream.indirect_vreg.gather [hbm4b:s1+s3], $0x80, v4, vm0, $0xb8;
	[tilespmem:$0x18400] =	vst v63  }
0x132: {  	s19 =	simm.s32 $0xE400  }
0x133: {  	[tilespmem:s19], [sflag:$0x3] =	stream.indirect_vreg.gather [hbm4b:s5+s3], $0x80, v4, vm0, $0xb8;
	[tilespmem:$0x18400] =	vst v63  }
0x134: {  	s14 =	simm.s32 $0xEC00  }
0x135: {  	[tilespmem:s14], [sflag:$0x3] =	stream.indirect_vreg.gather [hbm4b:s6+s3], $0x80, v4, vm0, $0xb8;
	[tilespmem:$0x18400] =	vst v63  }
0x136: {  	v4 =	vld [tilespmem:$0x310];
	_ =	sdelay $0x4  }
0x137: {  	v5 =	vshrl.u32 v4, $0x3  }
0x138: {  	v5 =	vmul.u32 $0x30, v5  }
0x139: {  	v4 =	vand.u32 $0x7, v4  }
0x13a: {  	v4 =	vor.u32 v4, v5  }
0x13b: {  	v5 =	vperm.xlane v4, v1;
	_ =	sdelay $0x1  }
0x13c: {  	v5 =	vadd.s32 v2, v5;
	_ =	sdelay $0x3  }
0x13d: {  	s15 =	simm.s32 $0xF400;
	v4 =	vperm.xlane v4, v3  }
0x13e: {  	[tilespmem:s15], [sflag:$0x3] =	stream.indirect_vreg.gather [hbm4b:s1+s3], $0x80, v5, vm0, $0xb8;
	[tilespmem:$0x18400] =	vst v63  }
0x13f: {  	s19 =	simm.s32 $0xFC00;
	v4 =	vadd.s32 v2, v4  }
0x140: {  	[tilespmem:s19], [sflag:$0x3] =	stream.indirect_vreg.gather [hbm4b:s5+s3], $0x80, v5, vm0, $0xb8;
	[tilespmem:$0x18400] =	vst v63  }
0x141: {  	s14 =	simm.s32 $0x10400  }
0x142: {  	[tilespmem:s14], [sflag:$0x3] =	stream.indirect_vreg.gather [hbm4b:s6+s3], $0x80, v5, vm0, $0xb8;
	[tilespmem:$0x18400] =	vst v63  }
0x143: {  	s15 =	simm.s32 $0x10C00  }
0x144: {  	[tilespmem:s15], [sflag:$0x3] =	stream.indirect_vreg.gather [hbm4b:s1+s3], $0x80, v4, vm0, $0xb8;
	[tilespmem:$0x18400] =	vst v63  }
0x145: {  	s19 =	simm.s32 $0x11400  }
0x146: {  	[tilespmem:s19], [sflag:$0x3] =	stream.indirect_vreg.gather [hbm4b:s5+s3], $0x80, v4, vm0, $0xb8;
	[tilespmem:$0x18400] =	vst v63  }
0x147: {  	s13 =	simm.s32 $0x4;
	s14 =	simm.s32 $0x11C00  }
0x148: {  	[tilespmem:s14], [sflag:$0x3] =	stream.indirect_vreg.gather [hbm4b:s6+s3], $0x80, v4, vm0, $0xb8;
	[tilespmem:$0x18400] =	vst v63  }
0x149: {  	_ =	swait.ge [sflag:s13], $0x6000  }
0x14a: {  	[sflag:s13] =	ssyncset.done $0x0  }
0x14b: {  	s14 =	simm.s32 $0x8;
	s15 =	rddreg [dreg:$0x7];
	[sflag:s13] =	ssyncadd.s32 $0xFFFFA000  }
0x14c: {  	[hbm4b:s15+s3] =	stream.linear.scatter [tilespmem:s4], [sflag:$0x8], $0x6000, $0x38;
	[tilespmem:$0x18400] =	vst v63  }
0x14d: {  	_ =	swait.ge [sflag:s14], $0x6000  }
0x14e: {  	[sflag:s14] =	ssyncset.done $0x0  }
0x14f: {  	[sflag:s14] =	ssyncadd.s32 $0xFFFFA000  }
0x150: {  	v4 =	vld [tilespmem:$0x380];
	_ =	sdelay $0x4  }
0x151: {  	v5 =	vshrl.u32 v4, $0x3  }
0x152: {  	v5 =	vmul.u32 $0x30, v5  }
0x153: {  	v4 =	vand.u32 $0x7, v4  }
0x154: {  	v4 =	vor.u32 v4, v5  }
0x155: {  	v5 =	vperm.xlane v4, v1;
	_ =	sdelay $0x1  }
0x156: {  	v5 =	vadd.s32 v2, v5;
	_ =	sdelay $0x3  }
0x157: {  	v4 =	vperm.xlane v4, v3  }
0x158: {  	[tilespmem:s4], [sflag:$0x4] =	stream.indirect_vreg.gather [hbm4b:s1+s3], $0x80, v5, vm0, $0xb8;
	[tilespmem:$0x18400] =	vst v63  }
0x159: {  	s19 =	simm.s32 $0x12C00;
	v4 =	vadd.s32 v2, v4  }
0x15a: {  	[tilespmem:s19], [sflag:$0x4] =	stream.indirect_vreg.gather [hbm4b:s5+s3], $0x80, v5, vm0, $0xb8;
	[tilespmem:$0x18400] =	vst v63  }
0x15b: {  	s19 =	simm.s32 $0x13400  }
0x15c: {  	[tilespmem:s19], [sflag:$0x4] =	stream.indirect_vreg.gather [hbm4b:s6+s3], $0x80, v5, vm0, $0xb8;
	[tilespmem:$0x18400] =	vst v63  }
0x15d: {  	s19 =	simm.s32 $0x13C00  }
0x15e: {  	[tilespmem:s19], [sflag:$0x4] =	stream.indirect_vreg.gather [hbm4b:s1+s3], $0x80, v4, vm0, $0xb8;
	[tilespmem:$0x18400] =	vst v63  }
0x15f: {  	s19 =	simm.s32 $0x14400  }
0x160: {  	[tilespmem:s19], [sflag:$0x4] =	stream.indirect_vreg.gather [hbm4b:s5+s3], $0x80, v4, vm0, $0xb8;
	[tilespmem:$0x18400] =	vst v63  }
0x161: {  	s19 =	simm.s32 $0x14C00  }
0x162: {  	[tilespmem:s19], [sflag:$0x4] =	stream.indirect_vreg.gather [hbm4b:s6+s3], $0x80, v4, vm0, $0xb8;
	[tilespmem:$0x18400] =	vst v63  }
0x163: {  	v4 =	vld [tilespmem:$0x390];
	_ =	sdelay $0x4  }
0x164: {  	v5 =	vshrl.u32 v4, $0x3  }
0x165: {  	v5 =	vmul.u32 $0x30, v5  }
0x166: {  	v4 =	vand.u32 $0x7, v4  }
0x167: {  	v4 =	vor.u32 v4, v5  }
0x168: {  	v5 =	vperm.xlane v4, v1;
	_ =	sdelay $0x1  }
0x169: {  	v5 =	vadd.s32 v2, v5;
	_ =	sdelay $0x3  }
0x16a: {  	s19 =	simm.s32 $0x15400;
	v4 =	vperm.xlane v4, v3  }
0x16b: {  	[tilespmem:s19], [sflag:$0x4] =	stream.indirect_vreg.gather [hbm4b:s1+s3], $0x80, v5, vm0, $0xb8;
	[tilespmem:$0x18400] =	vst v63  }
0x16c: {  	v4 =	vadd.s32 v2, v4;
	s19 =	simm.s32 $0x15C00  }
0x16d: {  	[tilespmem:s19], [sflag:$0x4] =	stream.indirect_vreg.gather [hbm4b:s5+s3], $0x80, v5, vm0, $0xb8;
	[tilespmem:$0x18400] =	vst v63  }
0x16e: {  	s19 =	simm.s32 $0x16400  }
0x16f: {  	[tilespmem:s19], [sflag:$0x4] =	stream.indirect_vreg.gather [hbm4b:s6+s3], $0x80, v5, vm0, $0xb8;
	[tilespmem:$0x18400] =	vst v63  }
0x170: {  	s19 =	simm.s32 $0x16C00  }
0x171: {  	[tilespmem:s19], [sflag:$0x4] =	stream.indirect_vreg.gather [hbm4b:s1+s3], $0x80, v4, vm0, $0xb8;
	[tilespmem:$0x18400] =	vst v63  }
0x172: {  	s19 =	simm.s32 $0x17400  }
0x173: {  	[tilespmem:s19], [sflag:$0x4] =	stream.indirect_vreg.gather [hbm4b:s5+s3], $0x80, v4, vm0, $0xb8;
	[tilespmem:$0x18400] =	vst v63  }
0x174: {  	s19 =	simm.s32 $0x17C00  }
0x175: {  	[tilespmem:s19], [sflag:$0x4] =	stream.indirect_vreg.gather [hbm4b:s6+s3], $0x80, v4, vm0, $0xb8;
	[tilespmem:$0x18400] =	vst v63  }
0x176: {  	_ =	swait.ge [sflag:s0], $0x6000  }
0x177: {  	[sflag:s0] =	ssyncset.done $0x0  }
0x178: {  	s15 =	simm.s32 $0x400;
	s19 =	rddreg [dreg:$0x8];
	[sflag:s0] =	ssyncadd.s32 $0xFFFFA000  }
0x179: {  	[hbm4b:s19+s3] =	stream.linear.scatter [tilespmem:s15], [sflag:$0x5], $0x6000, $0x38;
	[tilespmem:$0x18400] =	vst v63  }
0x17a: {  	_ =	swait.ge [sflag:s8], $0x6000  }
0x17b: {  	[sflag:s8] =	ssyncset.done $0x0  }
0x17c: {  	s7 =	simm.s32 $0x6400;
	s0 =	rddreg [dreg:$0x9];
	[sflag:s8] =	ssyncadd.s32 $0xFFFFA000  }
0x17d: {  	[hbm4b:s0+s3] =	stream.linear.scatter [tilespmem:s7], [sflag:$0x6], $0x6000, $0x38;
	[tilespmem:$0x18400] =	vst v63  }
0x17e: {  	_ =	swait.ge [sflag:s11], $0x6000  }
0x17f: {  	[sflag:s11] =	ssyncset.done $0x0  }
0x180: {  	s8 =	rddreg [dreg:$0xa];
	[sflag:s11] =	ssyncadd.s32 $0xFFFFA000  }
0x181: {  	[hbm4b:s8+s3] =	stream.linear.scatter [tilespmem:s18], [sflag:$0x7], $0x6000, $0x38;
	[tilespmem:$0x18400] =	vst v63  }
0x182: {  	_ =	swait.ge [sflag:s13], $0x6000  }
0x183: {  	[sflag:s13] =	ssyncset.done $0x0  }
0x184: {  	s15 =	rddreg [dreg:$0xb];
	[sflag:s13] =	ssyncadd.s32 $0xFFFFA000  }
0x185: {  	[hbm4b:s15+s3] =	stream.linear.scatter [tilespmem:s4], [sflag:$0x8], $0x6000, $0x38;
	[tilespmem:$0x18400] =	vst v63  }
0x186: {  	_ =	swait.ge [sflag:s2], $0x6000  }
0x187: {  	[sflag:s2] =	ssyncset.done $0x0  }
0x188: {  	[sflag:s2] =	ssyncadd.s32 $0xFFFFA000  }
0x189: {  	_ =	swait.ge [sflag:s9], $0x6000  }
0x18a: {  	[sflag:s9] =	ssyncset.done $0x0  }
0x18b: {  	[sflag:s9] =	ssyncadd.s32 $0xFFFFA000  }
0x18c: {  	p0 =	sne.s32 s10, $0x1;
	_ =	swait.ge [sflag:s12], $0x6000  }
.Ltmp0:
0x18d: {  	[sflag:s12] =	ssyncset.done $0x0;
	(pc) =	sbr.rel @p0 .LBB2_1-.Ltmp0, $4  }
0x18e: {  	[sflag:s12] =	ssyncadd.s32 $0xFFFFA000  }
0x18f: {  	_ =	swait.ge [sflag:s14], $0x6000  }
0x190: {  	[sflag:s14] =	ssyncset.done $0x0  }
0x191: {  	s10 =	sadd.s32 $0xFFFFFFFF, s10;
	[sflag:s14] =	ssyncadd.s32 $0xFFFFA000  }
0x192: {  	_ =	sfence.sel $0x180000  }
0x193: {  	[bflag:$0x0] =	sbarrier.arrive $0xFFFF  }
0x194: {  	_ =	strace $0x90000047  }
0x195: {  	s0 =	stileid.u32;
	[bflag:$0x2] =	sbarrier.arrive $0xFFFF  }
0x196: {  	p0 =	sne.s32 s0, $0x0;
	s0 =	rddreg [dreg:$0x3]  }
0x197: {  	s0 =	sadd.s32 @!p0 $0x100000, s0  }
0x198: {  	[sflag:s0] =	ssyncadd.tile.s32 @!p0 $0x1;
	_ =	shalt  }
.Lfunc_end2:
_tile_overlayer_lowered:
.L_overlay_start_2:
0x199: {  	(tag) =	ssettag $0x2  }
0x19a: {  	s0 =	rddreg [dreg:$0x0];
	s2 =	stileid.u32  }
0x19b: {  	s1 =	rddreg [dreg:$0x1];
	p0 =	sne.s32 s2, $0x0  }
0x19c: {  	s3 =	rddreg [dreg:$0x2];
	[bflag:$0x3] =	sbarrier.arrive $0xFFFF;
	s2 =	simm.s32 @!p0 $0x1C09  }
0x19d: {  	[timem:s3], [sflag:s2] =	dma.local @!p0 [hbm:s0], s1  }
0x19e: {  	s0 =	simm.s32 @!p0 $0x9  }
0x19f: {  	_ =	swait.ge @!p0 [sflag:s0], s1  }
0x1a0: {  	s1 =	ssub.s32 @!p0 $0x0, s1;
	[sflag:s0] =	ssyncset.done @!p0 $0x0  }
0x1a1: {  	[sflag:s0] =	ssyncadd.s32 @!p0 s1  }
0x1a2: {  	[bflag:$0x3] =	sbarrier.arrive $0xFFFF  }
0x1a3: {  	_ =	shalt  }

</sc_bundles>
